<compile_context>
chip_gen: v7x
topology: tpu7x:2x2x1
jax: 0.10.2.dev20260603
libtpu: 0.0.44.dev20260713+nightly
codegen_flags: <defaults>
</compile_context>

<pallas_src>
import functools

import jax
import jax.numpy as jnp
from jax import lax
from jax.experimental import pallas as pl
from jax.experimental.pallas import tpu as pltpu
from jax.experimental.pallas import tpu_sc as plsc

N = 10000
D = 128
E = 320000
NC, NS = 2, 16
NW = NC * NS
B = 128
NB = -(-E // (NW * B))
EPAD = NW * NB * B
NPAD = 10240
RPT = NPAD // NS
NBTOT = EPAD // B
NBMAX = 112
NB0 = 112
NB1 = 2 * NB - NB0

_mesh = plsc.VectorSubcoreMesh(core_axis_name="c", subcore_axis_name="s")


@functools.partial(
    pl.kernel,
    out_type=jax.ShapeDtypeStruct((NC, NPAD, D), jnp.float32),
    mesh=_mesh,
    scratch_types=[
        pltpu.VMEM((NBMAX, B), jnp.int32),
        pltpu.VMEM((NBMAX, B), jnp.int32),
        pltpu.VMEM((B, D), jnp.float32),
        pltpu.VMEM_SHARED((NPAD, D), jnp.float32),
        pltpu.SemaphoreType.DMA,
    ],
)
def _seg_sum(h_hbm, src_hbm, dst_hbm, zero_hbm, out_hbm,
             src_v, dst_v, rows_v, acc_sh, sem):
    c = lax.axis_index("c")
    s = lax.axis_index("s")
    wid = c * NS + s
    row0 = s * RPT
    pltpu.sync_copy(zero_hbm.at[pl.ds(row0, RPT)], acc_sh.at[pl.ds(row0, RPT)])
    pltpu.sync_copy(src_hbm.at[wid], src_v)
    pltpu.sync_copy(dst_hbm.at[wid], dst_v)
    plsc.subcore_barrier()

    def body(i, _):
        pltpu.async_copy(h_hbm.at[src_v.at[i]], rows_v, sem).wait()
        pltpu.sync_copy(rows_v, acc_sh.at[dst_v.at[i]], add=True)
        return ()

    @pl.when(c == 0)
    def _():
        lax.fori_loop(0, NB0, body, ())

    @pl.when(c != 0)
    def _():
        lax.fori_loop(0, NB1, body, ())
    plsc.subcore_barrier()
    pltpu.sync_copy(acc_sh.at[pl.ds(row0, RPT)], out_hbm.at[c, pl.ds(row0, RPT)])


@functools.partial(
    pl.kernel,
    out_type=jax.ShapeDtypeStruct((NC, NPAD, D), jnp.float32),
    mesh=_mesh,
    scratch_types=[
        pltpu.VMEM((NBMAX, B), jnp.int32),
        pltpu.VMEM((B, D), jnp.float32),
        pltpu.VMEM_SHARED((NPAD, D), jnp.float32),
    ],
)
def _degree(dst_hbm, ones_hbm, zero_hbm, out_hbm, dst_v, ones_v, acc_sh):
    c = lax.axis_index("c")
    s = lax.axis_index("s")
    wid = c * NS + s
    row0 = s * RPT
    pltpu.sync_copy(zero_hbm.at[pl.ds(row0, RPT)], acc_sh.at[pl.ds(row0, RPT)])
    pltpu.sync_copy(dst_hbm.at[wid], dst_v)
    pltpu.sync_copy(ones_hbm, ones_v)
    plsc.subcore_barrier()

    def body(i, _):
        pltpu.sync_copy(ones_v, acc_sh.at[dst_v.at[i]], add=True)
        return ()

    @pl.when(c == 0)
    def _():
        lax.fori_loop(0, NB0, body, ())

    @pl.when(c != 0)
    def _():
        lax.fori_loop(0, NB1, body, ())
    plsc.subcore_barrier()
    pltpu.sync_copy(acc_sh.at[pl.ds(row0, RPT)], out_hbm.at[c, pl.ds(row0, RPT)])


RB = 2000


def _dinv(d0_ref, d1_ref):
    return lax.rsqrt(d0_ref[:, 0:1] + d1_ref[:, 0:1] + 1.0)


def _h1_body(x_ref, w_ref, d0_ref, d1_ref, o_ref):
    h = jnp.dot(x_ref[...], w_ref[...], preferred_element_type=jnp.float32)
    o_ref[...] = h * _dinv(d0_ref, d1_ref)


def _mid_body(s0_ref, s1_ref, hp_ref, d0_ref, d1_ref, b_ref, w_ref,
              e1_ref, h2_ref):
    dinv = _dinv(d0_ref, d1_ref)
    e1 = dinv * (s0_ref[...] + s1_ref[...] + hp_ref[...]) + b_ref[...]
    e1_ref[...] = e1
    h2_ref[...] = jnp.dot(e1, w_ref[...],
                          preferred_element_type=jnp.float32) * dinv


def _fin_body(s0_ref, s1_ref, hp_ref, d0_ref, d1_ref, b_ref, x_ref, e1_ref,
              e2_ref, tot_ref):
    dinv = _dinv(d0_ref, d1_ref)
    e2 = dinv * (s0_ref[...] + s1_ref[...] + hp_ref[...]) + b_ref[...]
    e2_ref[...] = e2
    tot_ref[...] = x_ref[...] + e1_ref[...] + e2


_row = pl.BlockSpec((RB, D), lambda i: (i, 0))
_deg = pl.BlockSpec((RB, 16), lambda i: (i, 0))
_mat = pl.BlockSpec((D, D), lambda i: (0, 0))
_bias = pl.BlockSpec((1, D), lambda i: (0, 0))
_fout = jax.ShapeDtypeStruct((N, D), jnp.float32)
_grid = (N // RB,)


def kernel(item_emb, W0, b0, W1, b1, edge_index):
    x0 = item_emb[:N]
    pad = EPAD - E

    def slab(flat, fill):
        a = jnp.concatenate([flat, fill]).reshape(NBTOT, B)
        s0 = jnp.pad(a[:NS * NB0].reshape(NS, NB0, B),
                     ((0, 0), (0, NBMAX - NB0), (0, 0)))
        s1 = jnp.pad(a[NS * NB0:].reshape(NS, NB1, B),
                     ((0, 0), (0, NBMAX - NB1), (0, 0)))
        return jnp.concatenate([s0, s1], axis=0)

    src3 = slab(edge_index[0], jnp.zeros((pad,), jnp.int32))
    dst3 = slab(edge_index[1], N + 16 + jnp.arange(pad, dtype=jnp.int32) % 224)
    zeros_big = jnp.zeros((NPAD, D), jnp.float32)
    ones_b = jnp.ones((B, D), jnp.float32)

    degp = _degree(dst3, ones_b, zeros_big)
    degp0, degp1 = degp[0, :N, :16], degp[1, :N, :16]

    h1p = pl.pallas_call(
        _h1_body,
        grid=_grid,
        in_specs=[_row, _mat, _deg, _deg],
        out_specs=_row,
        out_shape=_fout,
    )(x0, W0, degp0, degp1)

    s1p = _seg_sum(h1p, src3, dst3, zeros_big)
    e1, h2p = pl.pallas_call(
        _mid_body,
        grid=_grid,
        in_specs=[_row, _row, _row, _deg, _deg, _bias, _mat],
        out_specs=(_row, _row),
        out_shape=(_fout, _fout),
    )(s1p[0, :N], s1p[1, :N], h1p, degp0, degp1, b0.reshape(1, D), W1)

    s2p = _seg_sum(h2p, src3, dst3, zeros_big)
    e2, total = pl.pallas_call(
        _fin_body,
        grid=_grid,
        in_specs=[_row, _row, _row, _deg, _deg, _bias, _row, _row],
        out_specs=(_row, _row),
        out_shape=(_fout, _fout),
    )(s2p[0, :N], s2p[1, :N], h2p, degp0, degp1, b1.reshape(1, D), x0, e1)

    return (total, x0, e1, e2)

# --- scband reference (transcript-rebuilt; emitter-appended) ---
"""Pipeline reference for scband-encoder-47270410060157 (READ-ONLY COPY).

The authoritative reference and input builder live on the scoring server;
editing this copy changes nothing except your own understanding.
"""

import jax, jax.numpy as jnp
import numpy as np

NUM_NODES = 10000        # configs['data']['item_num'] + 1
TABLE_ROWS = 15000       # data.item_num + target_data.item_num + 1
D = 128                  # embedding_size
E = 320000               # n_edges


def _xavier(key, shape):
    fan_in, fan_out = shape[0], shape[1]
    a = (6.0 / (fan_in + fan_out)) ** 0.5
    return jax.random.uniform(key, shape, minval=-a, maxval=a, dtype=jnp.float32)


def setup_inputs(seed: int = 0):
    key = jax.random.key(seed)
    k1, k2, k3, k4 = jax.random.split(key, 4)
    edge_index = jax.random.randint(k1, (2, E), 0, NUM_NODES, dtype=jnp.int32)
    item_emb = _xavier(k2, (TABLE_ROWS, D))
    W0 = _xavier(k3, (D, D))
    b0 = jnp.zeros((D,), jnp.float32)
    W1 = _xavier(k4, (D, D))
    b1 = jnp.zeros((D,), jnp.float32)
    return {"item_emb": item_emb, "W0": W0, "b0": b0, "W1": W1, "b1": b1, "edge_index": edge_index}


def gcn_conv(x, edge_index, W, b):
    # Faithful GCNConv: add self-loops, symmetric normalization, linear, scatter-add, bias
    n = x.shape[0]
    loop = jnp.arange(n, dtype=edge_index.dtype)
    src = jnp.concatenate([edge_index[0], loop])
    dst = jnp.concatenate([edge_index[1], loop])
    deg = jnp.zeros((n,), x.dtype).at[dst].add(1.0)
    dinv = jnp.where(deg > 0, jax.lax.rsqrt(jnp.maximum(deg, 1e-12)), 0.0)
    norm = dinv[src] * dinv[dst]
    h = x @ W
    msg = h[src] * norm[:, None]
    out = jnp.zeros_like(h).at[dst].add(msg)
    return out + b


def reference(item_emb, W0, b0, W1, b1, edge_index):
    # Encoder.forward(encoder_adj)
    x0 = item_emb[:NUM_NODES]
    e1 = gcn_conv(x0, edge_index, W0, b0)
    e2 = gcn_conv(e1, edge_index, W1, b1)
    total = x0 + e1 + e2
    return (total, x0, e1, e2)

if __name__ == "__main__":
    import jax
    _d = setup_inputs()
    print(jax.jit(kernel)(*tuple(_d.values())))

</pallas_src>

<mosaic_0001>
#map = affine_map<(d0, d1) -> (0, 0, 0)>
#map1 = affine_map<(d0, d1) -> (0, 0)>
module attributes {stable_mosaic.version = 14 : i64} {
  func.func @_degree(%arg0: i32, %arg1: i32, %arg2: memref<32x112x128xi32, #tpu.memory_space<hbm>>, %arg3: memref<128x128xf32, #tpu.memory_space<hbm>>, %arg4: memref<10240x128xf32, #tpu.memory_space<hbm>>, %arg5: memref<2x10240x128xf32, #tpu.memory_space<hbm>>, %arg6: memref<112x128xi32, #tpu.memory_space<vmem>>, %arg7: memref<128x128xf32, #tpu.memory_space<vmem>>, %arg8: memref<10240x128xf32, #tpu.memory_space<vmem_shared>>) attributes {dimension_semantics = [#tpu.dimension_semantics<core_parallel>, #tpu.dimension_semantics<subcore_parallel>], iteration_bounds = array<i64: 2, 16>, scalar_prefetch = 0 : i64, scratch_operands = 3 : i64, tpu.core_type = #tpu.core_type<sc_vector_subcore>, window_params = [{transform_indices = #map}, {transform_indices = #map1}, {transform_indices = #map1}, {transform_indices = #map}]} {
    %mul3A = arith.constant 16 : i32
    %mul3A_0 = arith.muli %arg0, %mul3A : i32
    %add3A = arith.addi %mul3A_0, %arg1 : i32
    %mul3A_1 = arith.constant 640 : i32
    %mul3A_2 = arith.muli %arg1, %mul3A_1 : i32
    "tpu.region"() ({
      %run_scoped3A = tpu.sem_alloc : memref<!tpu.dma_semaphore, #tpu.memory_space<semaphore_mem>>
      %dma_start3A = arith.constant 0 : i32
      %dma_start3A_10 = tpu.memref_slice %arg8[%mul3A_2, %dma_start3A] : memref<10240x128xf32, #tpu.memory_space<vmem_shared>> -> memref<640x128xf32, #tpu.memory_space<vmem_shared>>
      %dma_start3A_11 = arith.constant 0 : i32
      %dma_start3A_12 = tpu.memref_slice %arg4[%mul3A_2, %dma_start3A_11] : memref<10240x128xf32, #tpu.memory_space<hbm>> -> memref<640x128xf32, #tpu.memory_space<hbm>>
      tpu.enqueue_dma source(%dma_start3A_12 : memref<640x128xf32, #tpu.memory_space<hbm>>) target(%dma_start3A_10 : memref<640x128xf32, #tpu.memory_space<vmem_shared>>) target_semaphore(%run_scoped3A : memref<!tpu.dma_semaphore, #tpu.memory_space<semaphore_mem>>)
      %dma_wait3A = arith.constant 0 : i32
      %dma_wait3A_13 = tpu.memref_slice %arg8[%mul3A_2, %dma_wait3A] : memref<10240x128xf32, #tpu.memory_space<vmem_shared>> -> memref<640x128xf32, #tpu.memory_space<vmem_shared>>
      %dma_wait3A_14 = arith.constant 0 : i32
      %dma_wait3A_15 = tpu.memref_slice %arg4[%mul3A_2, %dma_wait3A_14] : memref<10240x128xf32, #tpu.memory_space<hbm>> -> memref<640x128xf32, #tpu.memory_space<hbm>>
      tpu.wait_dma2 semaphore(%run_scoped3A : memref<!tpu.dma_semaphore, #tpu.memory_space<semaphore_mem>>) src(%dma_wait3A_15 : memref<640x128xf32, #tpu.memory_space<hbm>>) dst(%dma_wait3A_13 : memref<640x128xf32, #tpu.memory_space<vmem_shared>>)
      tpu.yield
    }) : () -> ()
    "tpu.region"() ({
      %run_scoped3A = tpu.sem_alloc : memref<!tpu.dma_semaphore, #tpu.memory_space<semaphore_mem>>
      %dma_start3A = arith.constant 0 : i32
      %dma_start3A_10 = arith.constant 0 : i32
      %dma_start3A_11 = tpu.memref_slice %arg2[%add3A, %dma_start3A, %dma_start3A_10] : memref<32x112x128xi32, #tpu.memory_space<hbm>> -> memref<1x112x128xi32, #tpu.memory_space<hbm>>
      %dma_start3A_12 = tpu.memref_squeeze %dma_start3A_11 : memref<1x112x128xi32, #tpu.memory_space<hbm>> -> memref<112x128xi32, #tpu.memory_space<hbm>>
      %dma_start3A_13 = arith.constant 0 : i32
      %dma_start3A_14 = arith.constant 0 : i32
      %dma_start3A_15 = tpu.memref_slice %arg2[%add3A, %dma_start3A_13, %dma_start3A_14] : memref<32x112x128xi32, #tpu.memory_space<hbm>> -> memref<1x112x128xi32, #tpu.memory_space<hbm>>
      %dma_start3A_16 = tpu.memref_squeeze %dma_start3A_15 : memref<1x112x128xi32, #tpu.memory_space<hbm>> -> memref<112x128xi32, #tpu.memory_space<hbm>>
      tpu.enqueue_dma source(%dma_start3A_16 : memref<112x128xi32, #tpu.memory_space<hbm>>) target(%arg6 : memref<112x128xi32, #tpu.memory_space<vmem>>) target_semaphore(%run_scoped3A : memref<!tpu.dma_semaphore, #tpu.memory_space<semaphore_mem>>)
      %dma_wait3A = arith.constant 0 : i32
      %dma_wait3A_17 = arith.constant 0 : i32
      %dma_wait3A_18 = tpu.memref_slice %arg2[%add3A, %dma_wait3A, %dma_wait3A_17] : memref<32x112x128xi32, #tpu.memory_space<hbm>> -> memref<1x112x128xi32, #tpu.memory_space<hbm>>
      %dma_wait3A_19 = tpu.memref_squeeze %dma_wait3A_18 : memref<1x112x128xi32, #tpu.memory_space<hbm>> -> memref<112x128xi32, #tpu.memory_space<hbm>>
      %dma_wait3A_20 = arith.constant 0 : i32
      %dma_wait3A_21 = arith.constant 0 : i32
      %dma_wait3A_22 = tpu.memref_slice %arg2[%add3A, %dma_wait3A_20, %dma_wait3A_21] : memref<32x112x128xi32, #tpu.memory_space<hbm>> -> memref<1x112x128xi32, #tpu.memory_space<hbm>>
      %dma_wait3A_23 = tpu.memref_squeeze %dma_wait3A_22 : memref<1x112x128xi32, #tpu.memory_space<hbm>> -> memref<112x128xi32, #tpu.memory_space<hbm>>
      tpu.wait_dma2 semaphore(%run_scoped3A : memref<!tpu.dma_semaphore, #tpu.memory_space<semaphore_mem>>) src(%dma_wait3A_23 : memref<112x128xi32, #tpu.memory_space<hbm>>) dst(%arg6 : memref<112x128xi32, #tpu.memory_space<vmem>>)
      tpu.yield
    }) : () -> ()
    "tpu.region"() ({
      %run_scoped3A = tpu.sem_alloc : memref<!tpu.dma_semaphore, #tpu.memory_space<semaphore_mem>>
      tpu.enqueue_dma source(%arg3 : memref<128x128xf32, #tpu.memory_space<hbm>>) target(%arg7 : memref<128x128xf32, #tpu.memory_space<vmem>>) target_semaphore(%run_scoped3A : memref<!tpu.dma_semaphore, #tpu.memory_space<semaphore_mem>>)
      tpu.wait_dma2 semaphore(%run_scoped3A : memref<!tpu.dma_semaphore, #tpu.memory_space<semaphore_mem>>) src(%arg3 : memref<128x128xf32, #tpu.memory_space<hbm>>) dst(%arg7 : memref<128x128xf32, #tpu.memory_space<vmem>>)
      tpu.yield
    }) : () -> ()
    %barrier3A = arith.constant 0 : index
    tpu.barrier barrier_id(%barrier3A)
    %eq3A = arith.constant 0 : i32
    %eq3A_3 = arith.cmpi eq, %arg0, %eq3A : i32
    %convert_element_type3A = arith.extui %eq3A_3 : i1 to i32
    %cond3A = arith.constant 0 : i32
    %cond3A_4 = arith.cmpi ne, %convert_element_type3A, %cond3A : i32
    scf.if %cond3A_4 {
      %scan3A = arith.constant 0 : i32
      %scan3A_10 = arith.constant 112 : i32
      %scan3A_11 = arith.addi %scan3A, %scan3A_10 : i32
      %scan3A_12 = arith.constant 1 : i32
      scf.for %scan3A_14 = %scan3A to %scan3A_11 step %scan3A_12  : i32 {
        "tpu.region"() ({
          %run_scoped3A = tpu.sem_alloc : memref<!tpu.dma_semaphore, #tpu.memory_space<semaphore_mem>>
          %dma_start3A = arith.constant 0 : i32
          %dma_start3A_15 = tpu.memref_slice %arg6[%scan3A_14, %dma_start3A] : memref<112x128xi32, #tpu.memory_space<vmem>> -> memref<1x128xi32, #tpu.memory_space<vmem>>
          %dma_start3A_16 = tpu.memref_squeeze %dma_start3A_15 : memref<1x128xi32, #tpu.memory_space<vmem>> -> memref<128xi32, #tpu.memory_space<vmem>>
          %dma_start3A_17 = arith.constant 0 : i32
          %dma_start3A_18 = arith.constant 0 : i32
          %dma_start3A_19 = tpu.memref_slice %arg8[%dma_start3A_17, %dma_start3A_18] : memref<10240x128xf32, #tpu.memory_space<vmem_shared>> -> memref<10240x128xf32, #tpu.memory_space<vmem_shared>>
          tpu.enqueue_indirect_dma source(%arg7 : memref<128x128xf32, #tpu.memory_space<vmem>>) target(%dma_start3A_19 : memref<10240x128xf32, #tpu.memory_space<vmem_shared>>) offsets(%dma_start3A_16 : memref<128xi32, #tpu.memory_space<vmem>>) semaphore(%run_scoped3A : memref<!tpu.dma_semaphore, #tpu.memory_space<semaphore_mem>>) {add = true}
          %dma_wait3A = arith.constant 0 : i32
          %dma_wait3A_20 = tpu.memref_slice %arg6[%scan3A_14, %dma_wait3A] : memref<112x128xi32, #tpu.memory_space<vmem>> -> memref<1x128xi32, #tpu.memory_space<vmem>>
          %dma_wait3A_21 = tpu.memref_squeeze %dma_wait3A_20 : memref<1x128xi32, #tpu.memory_space<vmem>> -> memref<128xi32, #tpu.memory_space<vmem>>
          %dma_wait3A_22 = arith.constant 0 : i32
          %dma_wait3A_23 = arith.constant 0 : i32
          %dma_wait3A_24 = tpu.memref_slice %arg8[%dma_wait3A_22, %dma_wait3A_23] : memref<10240x128xf32, #tpu.memory_space<vmem_shared>> -> memref<10240x128xf32, #tpu.memory_space<vmem_shared>>
          tpu.wait_indirect_dma semaphore(%run_scoped3A : memref<!tpu.dma_semaphore, #tpu.memory_space<semaphore_mem>>) src(%arg7 : memref<128x128xf32, #tpu.memory_space<vmem>>) dst(%dma_wait3A_24 : memref<10240x128xf32, #tpu.memory_space<vmem_shared>>)
          tpu.yield
        }) : () -> ()
      }
      %scan3A_13 = arith.constant 112 : i32
    } else {
    }
    %ne3A = arith.constant 0 : i32
    %ne3A_5 = arith.cmpi ne, %arg0, %ne3A : i32
    %convert_element_type3A_6 = arith.extui %ne3A_5 : i1 to i32
    %cond3A_7 = arith.constant 0 : i32
    %cond3A_8 = arith.cmpi ne, %convert_element_type3A_6, %cond3A_7 : i32
    scf.if %cond3A_8 {
      %scan3A = arith.constant 0 : i32
      %scan3A_10 = arith.constant 46 : i32
      %scan3A_11 = arith.addi %scan3A, %scan3A_10 : i32
      %scan3A_12 = arith.constant 1 : i32
      scf.for %scan3A_14 = %scan3A to %scan3A_11 step %scan3A_12  : i32 {
        "tpu.region"() ({
          %run_scoped3A = tpu.sem_alloc : memref<!tpu.dma_semaphore, #tpu.memory_space<semaphore_mem>>
          %dma_start3A = arith.constant 0 : i32
          %dma_start3A_15 = tpu.memref_slice %arg6[%scan3A_14, %dma_start3A] : memref<112x128xi32, #tpu.memory_space<vmem>> -> memref<1x128xi32, #tpu.memory_space<vmem>>
          %dma_start3A_16 = tpu.memref_squeeze %dma_start3A_15 : memref<1x128xi32, #tpu.memory_space<vmem>> -> memref<128xi32, #tpu.memory_space<vmem>>
          %dma_start3A_17 = arith.constant 0 : i32
          %dma_start3A_18 = arith.constant 0 : i32
          %dma_start3A_19 = tpu.memref_slice %arg8[%dma_start3A_17, %dma_start3A_18] : memref<10240x128xf32, #tpu.memory_space<vmem_shared>> -> memref<10240x128xf32, #tpu.memory_space<vmem_shared>>
          tpu.enqueue_indirect_dma source(%arg7 : memref<128x128xf32, #tpu.memory_space<vmem>>) target(%dma_start3A_19 : memref<10240x128xf32, #tpu.memory_space<vmem_shared>>) offsets(%dma_start3A_16 : memref<128xi32, #tpu.memory_space<vmem>>) semaphore(%run_scoped3A : memref<!tpu.dma_semaphore, #tpu.memory_space<semaphore_mem>>) {add = true}
          %dma_wait3A = arith.constant 0 : i32
          %dma_wait3A_20 = tpu.memref_slice %arg6[%scan3A_14, %dma_wait3A] : memref<112x128xi32, #tpu.memory_space<vmem>> -> memref<1x128xi32, #tpu.memory_space<vmem>>
          %dma_wait3A_21 = tpu.memref_squeeze %dma_wait3A_20 : memref<1x128xi32, #tpu.memory_space<vmem>> -> memref<128xi32, #tpu.memory_space<vmem>>
          %dma_wait3A_22 = arith.constant 0 : i32
          %dma_wait3A_23 = arith.constant 0 : i32
          %dma_wait3A_24 = tpu.memref_slice %arg8[%dma_wait3A_22, %dma_wait3A_23] : memref<10240x128xf32, #tpu.memory_space<vmem_shared>> -> memref<10240x128xf32, #tpu.memory_space<vmem_shared>>
          tpu.wait_indirect_dma semaphore(%run_scoped3A : memref<!tpu.dma_semaphore, #tpu.memory_space<semaphore_mem>>) src(%arg7 : memref<128x128xf32, #tpu.memory_space<vmem>>) dst(%dma_wait3A_24 : memref<10240x128xf32, #tpu.memory_space<vmem_shared>>)
          tpu.yield
        }) : () -> ()
      }
      %scan3A_13 = arith.constant 46 : i32
    } else {
    }
    %barrier3A_9 = arith.constant 0 : index
    tpu.barrier barrier_id(%barrier3A_9)
    "tpu.region"() ({
      %run_scoped3A = tpu.sem_alloc : memref<!tpu.dma_semaphore, #tpu.memory_space<semaphore_mem>>
      %dma_start3A = arith.constant 0 : i32
      %dma_start3A_10 = tpu.memref_slice %arg5[%arg0, %mul3A_2, %dma_start3A] : memref<2x10240x128xf32, #tpu.memory_space<hbm>> -> memref<1x640x128xf32, #tpu.memory_space<hbm>>
      %dma_start3A_11 = tpu.memref_squeeze %dma_start3A_10 : memref<1x640x128xf32, #tpu.memory_space<hbm>> -> memref<640x128xf32, #tpu.memory_space<hbm>>
      %dma_start3A_12 = arith.constant 0 : i32
      %dma_start3A_13 = tpu.memref_slice %arg8[%mul3A_2, %dma_start3A_12] : memref<10240x128xf32, #tpu.memory_space<vmem_shared>> -> memref<640x128xf32, #tpu.memory_space<vmem_shared>>
      tpu.enqueue_dma source(%dma_start3A_13 : memref<640x128xf32, #tpu.memory_space<vmem_shared>>) target(%dma_start3A_11 : memref<640x128xf32, #tpu.memory_space<hbm>>) target_semaphore(%run_scoped3A : memref<!tpu.dma_semaphore, #tpu.memory_space<semaphore_mem>>)
      %dma_wait3A = arith.constant 0 : i32
      %dma_wait3A_14 = tpu.memref_slice %arg5[%arg0, %mul3A_2, %dma_wait3A] : memref<2x10240x128xf32, #tpu.memory_space<hbm>> -> memref<1x640x128xf32, #tpu.memory_space<hbm>>
      %dma_wait3A_15 = tpu.memref_squeeze %dma_wait3A_14 : memref<1x640x128xf32, #tpu.memory_space<hbm>> -> memref<640x128xf32, #tpu.memory_space<hbm>>
      %dma_wait3A_16 = arith.constant 0 : i32
      %dma_wait3A_17 = tpu.memref_slice %arg8[%mul3A_2, %dma_wait3A_16] : memref<10240x128xf32, #tpu.memory_space<vmem_shared>> -> memref<640x128xf32, #tpu.memory_space<vmem_shared>>
      tpu.wait_dma2 semaphore(%run_scoped3A : memref<!tpu.dma_semaphore, #tpu.memory_space<semaphore_mem>>) src(%dma_wait3A_17 : memref<640x128xf32, #tpu.memory_space<vmem_shared>>) dst(%dma_wait3A_15 : memref<640x128xf32, #tpu.memory_space<hbm>>)
      tpu.yield
    }) : () -> ()
    return
  }
}

#map = affine_map<(d0, d1) -> (0, 0)>
#map1 = affine_map<(d0, d1) -> (0, 0, 0)>
module attributes {stable_mosaic.version = 14 : i64} {
  func.func @_seg_sum(%arg0: i32, %arg1: i32, %arg2: memref<10000x128xf32, #tpu.memory_space<hbm>>, %arg3: memref<32x112x128xi32, #tpu.memory_space<hbm>>, %arg4: memref<32x112x128xi32, #tpu.memory_space<hbm>>, %arg5: memref<10240x128xf32, #tpu.memory_space<hbm>>, %arg6: memref<2x10240x128xf32, #tpu.memory_space<hbm>>, %arg7: memref<112x128xi32, #tpu.memory_space<vmem>>, %arg8: memref<112x128xi32, #tpu.memory_space<vmem>>, %arg9: memref<128x128xf32, #tpu.memory_space<vmem>>, %arg10: memref<10240x128xf32, #tpu.memory_space<vmem_shared>>, %arg11: memref<!tpu.dma_semaphore, #tpu.memory_space<semaphore_mem>>) attributes {dimension_semantics = [#tpu.dimension_semantics<core_parallel>, #tpu.dimension_semantics<subcore_parallel>], iteration_bounds = array<i64: 2, 16>, scalar_prefetch = 0 : i64, scratch_operands = 5 : i64, tpu.core_type = #tpu.core_type<sc_vector_subcore>, window_params = [{transform_indices = #map}, {transform_indices = #map1}, {transform_indices = #map1}, {transform_indices = #map}, {transform_indices = #map1}]} {
    %mul3A = arith.constant 16 : i32
    %mul3A_0 = arith.muli %arg0, %mul3A : i32
    %add3A = arith.addi %mul3A_0, %arg1 : i32
    %mul3A_1 = arith.constant 640 : i32
    %mul3A_2 = arith.muli %arg1, %mul3A_1 : i32
    "tpu.region"() ({
      %run_scoped3A = tpu.sem_alloc : memref<!tpu.dma_semaphore, #tpu.memory_space<semaphore_mem>>
      %dma_start3A = arith.constant 0 : i32
      %dma_start3A_10 = tpu.memref_slice %arg10[%mul3A_2, %dma_start3A] : memref<10240x128xf32, #tpu.memory_space<vmem_shared>> -> memref<640x128xf32, #tpu.memory_space<vmem_shared>>
      %dma_start3A_11 = arith.constant 0 : i32
      %dma_start3A_12 = tpu.memref_slice %arg5[%mul3A_2, %dma_start3A_11] : memref<10240x128xf32, #tpu.memory_space<hbm>> -> memref<640x128xf32, #tpu.memory_space<hbm>>
      tpu.enqueue_dma source(%dma_start3A_12 : memref<640x128xf32, #tpu.memory_space<hbm>>) target(%dma_start3A_10 : memref<640x128xf32, #tpu.memory_space<vmem_shared>>) target_semaphore(%run_scoped3A : memref<!tpu.dma_semaphore, #tpu.memory_space<semaphore_mem>>)
      %dma_wait3A = arith.constant 0 : i32
      %dma_wait3A_13 = tpu.memref_slice %arg10[%mul3A_2, %dma_wait3A] : memref<10240x128xf32, #tpu.memory_space<vmem_shared>> -> memref<640x128xf32, #tpu.memory_space<vmem_shared>>
      %dma_wait3A_14 = arith.constant 0 : i32
      %dma_wait3A_15 = tpu.memref_slice %arg5[%mul3A_2, %dma_wait3A_14] : memref<10240x128xf32, #tpu.memory_space<hbm>> -> memref<640x128xf32, #tpu.memory_space<hbm>>
      tpu.wait_dma2 semaphore(%run_scoped3A : memref<!tpu.dma_semaphore, #tpu.memory_space<semaphore_mem>>) src(%dma_wait3A_15 : memref<640x128xf32, #tpu.memory_space<hbm>>) dst(%dma_wait3A_13 : memref<640x128xf32, #tpu.memory_space<vmem_shared>>)
      tpu.yield
    }) : () -> ()
    "tpu.region"() ({
      %run_scoped3A = tpu.sem_alloc : memref<!tpu.dma_semaphore, #tpu.memory_space<semaphore_mem>>
      %dma_start3A = arith.constant 0 : i32
      %dma_start3A_10 = arith.constant 0 : i32
      %dma_start3A_11 = tpu.memref_slice %arg3[%add3A, %dma_start3A, %dma_start3A_10] : memref<32x112x128xi32, #tpu.memory_space<hbm>> -> memref<1x112x128xi32, #tpu.memory_space<hbm>>
      %dma_start3A_12 = tpu.memref_squeeze %dma_start3A_11 : memref<1x112x128xi32, #tpu.memory_space<hbm>> -> memref<112x128xi32, #tpu.memory_space<hbm>>
      %dma_start3A_13 = arith.constant 0 : i32
      %dma_start3A_14 = arith.constant 0 : i32
      %dma_start3A_15 = tpu.memref_slice %arg3[%add3A, %dma_start3A_13, %dma_start3A_14] : memref<32x112x128xi32, #tpu.memory_space<hbm>> -> memref<1x112x128xi32, #tpu.memory_space<hbm>>
      %dma_start3A_16 = tpu.memref_squeeze %dma_start3A_15 : memref<1x112x128xi32, #tpu.memory_space<hbm>> -> memref<112x128xi32, #tpu.memory_space<hbm>>
      tpu.enqueue_dma source(%dma_start3A_16 : memref<112x128xi32, #tpu.memory_space<hbm>>) target(%arg7 : memref<112x128xi32, #tpu.memory_space<vmem>>) target_semaphore(%run_scoped3A : memref<!tpu.dma_semaphore, #tpu.memory_space<semaphore_mem>>)
      %dma_wait3A = arith.constant 0 : i32
      %dma_wait3A_17 = arith.constant 0 : i32
      %dma_wait3A_18 = tpu.memref_slice %arg3[%add3A, %dma_wait3A, %dma_wait3A_17] : memref<32x112x128xi32, #tpu.memory_space<hbm>> -> memref<1x112x128xi32, #tpu.memory_space<hbm>>
      %dma_wait3A_19 = tpu.memref_squeeze %dma_wait3A_18 : memref<1x112x128xi32, #tpu.memory_space<hbm>> -> memref<112x128xi32, #tpu.memory_space<hbm>>
      %dma_wait3A_20 = arith.constant 0 : i32
      %dma_wait3A_21 = arith.constant 0 : i32
      %dma_wait3A_22 = tpu.memref_slice %arg3[%add3A, %dma_wait3A_20, %dma_wait3A_21] : memref<32x112x128xi32, #tpu.memory_space<hbm>> -> memref<1x112x128xi32, #tpu.memory_space<hbm>>
      %dma_wait3A_23 = tpu.memref_squeeze %dma_wait3A_22 : memref<1x112x128xi32, #tpu.memory_space<hbm>> -> memref<112x128xi32, #tpu.memory_space<hbm>>
      tpu.wait_dma2 semaphore(%run_scoped3A : memref<!tpu.dma_semaphore, #tpu.memory_space<semaphore_mem>>) src(%dma_wait3A_23 : memref<112x128xi32, #tpu.memory_space<hbm>>) dst(%arg7 : memref<112x128xi32, #tpu.memory_space<vmem>>)
      tpu.yield
    }) : () -> ()
    "tpu.region"() ({
      %run_scoped3A = tpu.sem_alloc : memref<!tpu.dma_semaphore, #tpu.memory_space<semaphore_mem>>
      %dma_start3A = arith.constant 0 : i32
      %dma_start3A_10 = arith.constant 0 : i32
      %dma_start3A_11 = tpu.memref_slice %arg4[%add3A, %dma_start3A, %dma_start3A_10] : memref<32x112x128xi32, #tpu.memory_space<hbm>> -> memref<1x112x128xi32, #tpu.memory_space<hbm>>
      %dma_start3A_12 = tpu.memref_squeeze %dma_start3A_11 : memref<1x112x128xi32, #tpu.memory_space<hbm>> -> memref<112x128xi32, #tpu.memory_space<hbm>>
      %dma_start3A_13 = arith.constant 0 : i32
      %dma_start3A_14 = arith.constant 0 : i32
      %dma_start3A_15 = tpu.memref_slice %arg4[%add3A, %dma_start3A_13, %dma_start3A_14] : memref<32x112x128xi32, #tpu.memory_space<hbm>> -> memref<1x112x128xi32, #tpu.memory_space<hbm>>
      %dma_start3A_16 = tpu.memref_squeeze %dma_start3A_15 : memref<1x112x128xi32, #tpu.memory_space<hbm>> -> memref<112x128xi32, #tpu.memory_space<hbm>>
      tpu.enqueue_dma source(%dma_start3A_16 : memref<112x128xi32, #tpu.memory_space<hbm>>) target(%arg8 : memref<112x128xi32, #tpu.memory_space<vmem>>) target_semaphore(%run_scoped3A : memref<!tpu.dma_semaphore, #tpu.memory_space<semaphore_mem>>)
      %dma_wait3A = arith.constant 0 : i32
      %dma_wait3A_17 = arith.constant 0 : i32
      %dma_wait3A_18 = tpu.memref_slice %arg4[%add3A, %dma_wait3A, %dma_wait3A_17] : memref<32x112x128xi32, #tpu.memory_space<hbm>> -> memref<1x112x128xi32, #tpu.memory_space<hbm>>
      %dma_wait3A_19 = tpu.memref_squeeze %dma_wait3A_18 : memref<1x112x128xi32, #tpu.memory_space<hbm>> -> memref<112x128xi32, #tpu.memory_space<hbm>>
      %dma_wait3A_20 = arith.constant 0 : i32
      %dma_wait3A_21 = arith.constant 0 : i32
      %dma_wait3A_22 = tpu.memref_slice %arg4[%add3A, %dma_wait3A_20, %dma_wait3A_21] : memref<32x112x128xi32, #tpu.memory_space<hbm>> -> memref<1x112x128xi32, #tpu.memory_space<hbm>>
      %dma_wait3A_23 = tpu.memref_squeeze %dma_wait3A_22 : memref<1x112x128xi32, #tpu.memory_space<hbm>> -> memref<112x128xi32, #tpu.memory_space<hbm>>
      tpu.wait_dma2 semaphore(%run_scoped3A : memref<!tpu.dma_semaphore, #tpu.memory_space<semaphore_mem>>) src(%dma_wait3A_23 : memref<112x128xi32, #tpu.memory_space<hbm>>) dst(%arg8 : memref<112x128xi32, #tpu.memory_space<vmem>>)
      tpu.yield
    }) : () -> ()
    %barrier3A = arith.constant 0 : index
    tpu.barrier barrier_id(%barrier3A)
    %eq3A = arith.constant 0 : i32
    %eq3A_3 = arith.cmpi eq, %arg0, %eq3A : i32
    %convert_element_type3A = arith.extui %eq3A_3 : i1 to i32
    %cond3A = arith.constant 0 : i32
    %cond3A_4 = arith.cmpi ne, %convert_element_type3A, %cond3A : i32
    scf.if %cond3A_4 {
      %scan3A = arith.constant 0 : i32
      %scan3A_10 = arith.constant 112 : i32
      %scan3A_11 = arith.addi %scan3A, %scan3A_10 : i32
      %scan3A_12 = arith.constant 1 : i32
      scf.for %scan3A_14 = %scan3A to %scan3A_11 step %scan3A_12  : i32 {
        %dma_start3A = arith.constant 0 : i32
        %dma_start3A_15 = tpu.memref_slice %arg7[%scan3A_14, %dma_start3A] : memref<112x128xi32, #tpu.memory_space<vmem>> -> memref<1x128xi32, #tpu.memory_space<vmem>>
        %dma_start3A_16 = tpu.memref_squeeze %dma_start3A_15 : memref<1x128xi32, #tpu.memory_space<vmem>> -> memref<128xi32, #tpu.memory_space<vmem>>
        %dma_start3A_17 = arith.constant 0 : i32
        %dma_start3A_18 = arith.constant 0 : i32
        %dma_start3A_19 = tpu.memref_slice %arg2[%dma_start3A_17, %dma_start3A_18] : memref<10000x128xf32, #tpu.memory_space<hbm>> -> memref<10000x128xf32, #tpu.memory_space<hbm>>
        tpu.enqueue_indirect_dma source(%dma_start3A_19 : memref<10000x128xf32, #tpu.memory_space<hbm>>) target(%arg9 : memref<128x128xf32, #tpu.memory_space<vmem>>) offsets(%dma_start3A_16 : memref<128xi32, #tpu.memory_space<vmem>>) semaphore(%arg11 : memref<!tpu.dma_semaphore, #tpu.memory_space<semaphore_mem>>)
        %dma_wait3A = arith.constant 0 : i32
        %dma_wait3A_20 = tpu.memref_slice %arg7[%scan3A_14, %dma_wait3A] : memref<112x128xi32, #tpu.memory_space<vmem>> -> memref<1x128xi32, #tpu.memory_space<vmem>>
        %dma_wait3A_21 = tpu.memref_squeeze %dma_wait3A_20 : memref<1x128xi32, #tpu.memory_space<vmem>> -> memref<128xi32, #tpu.memory_space<vmem>>
        %dma_wait3A_22 = arith.constant 0 : i32
        %dma_wait3A_23 = arith.constant 0 : i32
        %dma_wait3A_24 = tpu.memref_slice %arg2[%dma_wait3A_22, %dma_wait3A_23] : memref<10000x128xf32, #tpu.memory_space<hbm>> -> memref<10000x128xf32, #tpu.memory_space<hbm>>
        tpu.wait_indirect_dma semaphore(%arg11 : memref<!tpu.dma_semaphore, #tpu.memory_space<semaphore_mem>>) src(%dma_wait3A_24 : memref<10000x128xf32, #tpu.memory_space<hbm>>) dst(%arg9 : memref<128x128xf32, #tpu.memory_space<vmem>>)
        "tpu.region"() ({
          %run_scoped3A = tpu.sem_alloc : memref<!tpu.dma_semaphore, #tpu.memory_space<semaphore_mem>>
          %dma_start3A_25 = arith.constant 0 : i32
          %dma_start3A_26 = tpu.memref_slice %arg8[%scan3A_14, %dma_start3A_25] : memref<112x128xi32, #tpu.memory_space<vmem>> -> memref<1x128xi32, #tpu.memory_space<vmem>>
          %dma_start3A_27 = tpu.memref_squeeze %dma_start3A_26 : memref<1x128xi32, #tpu.memory_space<vmem>> -> memref<128xi32, #tpu.memory_space<vmem>>
          %dma_start3A_28 = arith.constant 0 : i32
          %dma_start3A_29 = arith.constant 0 : i32
          %dma_start3A_30 = tpu.memref_slice %arg10[%dma_start3A_28, %dma_start3A_29] : memref<10240x128xf32, #tpu.memory_space<vmem_shared>> -> memref<10240x128xf32, #tpu.memory_space<vmem_shared>>
          tpu.enqueue_indirect_dma source(%arg9 : memref<128x128xf32, #tpu.memory_space<vmem>>) target(%dma_start3A_30 : memref<10240x128xf32, #tpu.memory_space<vmem_shared>>) offsets(%dma_start3A_27 : memref<128xi32, #tpu.memory_space<vmem>>) semaphore(%run_scoped3A : memref<!tpu.dma_semaphore, #tpu.memory_space<semaphore_mem>>) {add = true}
          %dma_wait3A_31 = arith.constant 0 : i32
          %dma_wait3A_32 = tpu.memref_slice %arg8[%scan3A_14, %dma_wait3A_31] : memref<112x128xi32, #tpu.memory_space<vmem>> -> memref<1x128xi32, #tpu.memory_space<vmem>>
          %dma_wait3A_33 = tpu.memref_squeeze %dma_wait3A_32 : memref<1x128xi32, #tpu.memory_space<vmem>> -> memref<128xi32, #tpu.memory_space<vmem>>
          %dma_wait3A_34 = arith.constant 0 : i32
          %dma_wait3A_35 = arith.constant 0 : i32
          %dma_wait3A_36 = tpu.memref_slice %arg10[%dma_wait3A_34, %dma_wait3A_35] : memref<10240x128xf32, #tpu.memory_space<vmem_shared>> -> memref<10240x128xf32, #tpu.memory_space<vmem_shared>>
          tpu.wait_indirect_dma semaphore(%run_scoped3A : memref<!tpu.dma_semaphore, #tpu.memory_space<semaphore_mem>>) src(%arg9 : memref<128x128xf32, #tpu.memory_space<vmem>>) dst(%dma_wait3A_36 : memref<10240x128xf32, #tpu.memory_space<vmem_shared>>)
          tpu.yield
        }) : () -> ()
      }
      %scan3A_13 = arith.constant 112 : i32
    } else {
    }
    %ne3A = arith.constant 0 : i32
    %ne3A_5 = arith.cmpi ne, %arg0, %ne3A : i32
    %convert_element_type3A_6 = arith.extui %ne3A_5 : i1 to i32
    %cond3A_7 = arith.constant 0 : i32
    %cond3A_8 = arith.cmpi ne, %convert_element_type3A_6, %cond3A_7 : i32
    scf.if %cond3A_8 {
      %scan3A = arith.constant 0 : i32
      %scan3A_10 = arith.constant 46 : i32
      %scan3A_11 = arith.addi %scan3A, %scan3A_10 : i32
      %scan3A_12 = arith.constant 1 : i32
      scf.for %scan3A_14 = %scan3A to %scan3A_11 step %scan3A_12  : i32 {
        %dma_start3A = arith.constant 0 : i32
        %dma_start3A_15 = tpu.memref_slice %arg7[%scan3A_14, %dma_start3A] : memref<112x128xi32, #tpu.memory_space<vmem>> -> memref<1x128xi32, #tpu.memory_space<vmem>>
        %dma_start3A_16 = tpu.memref_squeeze %dma_start3A_15 : memref<1x128xi32, #tpu.memory_space<vmem>> -> memref<128xi32, #tpu.memory_space<vmem>>
        %dma_start3A_17 = arith.constant 0 : i32
        %dma_start3A_18 = arith.constant 0 : i32
        %dma_start3A_19 = tpu.memref_slice %arg2[%dma_start3A_17, %dma_start3A_18] : memref<10000x128xf32, #tpu.memory_space<hbm>> -> memref<10000x128xf32, #tpu.memory_space<hbm>>
        tpu.enqueue_indirect_dma source(%dma_start3A_19 : memref<10000x128xf32, #tpu.memory_space<hbm>>) target(%arg9 : memref<128x128xf32, #tpu.memory_space<vmem>>) offsets(%dma_start3A_16 : memref<128xi32, #tpu.memory_space<vmem>>) semaphore(%arg11 : memref<!tpu.dma_semaphore, #tpu.memory_space<semaphore_mem>>)
        %dma_wait3A = arith.constant 0 : i32
        %dma_wait3A_20 = tpu.memref_slice %arg7[%scan3A_14, %dma_wait3A] : memref<112x128xi32, #tpu.memory_space<vmem>> -> memref<1x128xi32, #tpu.memory_space<vmem>>
        %dma_wait3A_21 = tpu.memref_squeeze %dma_wait3A_20 : memref<1x128xi32, #tpu.memory_space<vmem>> -> memref<128xi32, #tpu.memory_space<vmem>>
        %dma_wait3A_22 = arith.constant 0 : i32
        %dma_wait3A_23 = arith.constant 0 : i32
        %dma_wait3A_24 = tpu.memref_slice %arg2[%dma_wait3A_22, %dma_wait3A_23] : memref<10000x128xf32, #tpu.memory_space<hbm>> -> memref<10000x128xf32, #tpu.memory_space<hbm>>
        tpu.wait_indirect_dma semaphore(%arg11 : memref<!tpu.dma_semaphore, #tpu.memory_space<semaphore_mem>>) src(%dma_wait3A_24 : memref<10000x128xf32, #tpu.memory_space<hbm>>) dst(%arg9 : memref<128x128xf32, #tpu.memory_space<vmem>>)
        "tpu.region"() ({
          %run_scoped3A = tpu.sem_alloc : memref<!tpu.dma_semaphore, #tpu.memory_space<semaphore_mem>>
          %dma_start3A_25 = arith.constant 0 : i32
          %dma_start3A_26 = tpu.memref_slice %arg8[%scan3A_14, %dma_start3A_25] : memref<112x128xi32, #tpu.memory_space<vmem>> -> memref<1x128xi32, #tpu.memory_space<vmem>>
          %dma_start3A_27 = tpu.memref_squeeze %dma_start3A_26 : memref<1x128xi32, #tpu.memory_space<vmem>> -> memref<128xi32, #tpu.memory_space<vmem>>
          %dma_start3A_28 = arith.constant 0 : i32
          %dma_start3A_29 = arith.constant 0 : i32
          %dma_start3A_30 = tpu.memref_slice %arg10[%dma_start3A_28, %dma_start3A_29] : memref<10240x128xf32, #tpu.memory_space<vmem_shared>> -> memref<10240x128xf32, #tpu.memory_space<vmem_shared>>
          tpu.enqueue_indirect_dma source(%arg9 : memref<128x128xf32, #tpu.memory_space<vmem>>) target(%dma_start3A_30 : memref<10240x128xf32, #tpu.memory_space<vmem_shared>>) offsets(%dma_start3A_27 : memref<128xi32, #tpu.memory_space<vmem>>) semaphore(%run_scoped3A : memref<!tpu.dma_semaphore, #tpu.memory_space<semaphore_mem>>) {add = true}
          %dma_wait3A_31 = arith.constant 0 : i32
          %dma_wait3A_32 = tpu.memref_slice %arg8[%scan3A_14, %dma_wait3A_31] : memref<112x128xi32, #tpu.memory_space<vmem>> -> memref<1x128xi32, #tpu.memory_space<vmem>>
          %dma_wait3A_33 = tpu.memref_squeeze %dma_wait3A_32 : memref<1x128xi32, #tpu.memory_space<vmem>> -> memref<128xi32, #tpu.memory_space<vmem>>
          %dma_wait3A_34 = arith.constant 0 : i32
          %dma_wait3A_35 = arith.constant 0 : i32
          %dma_wait3A_36 = tpu.memref_slice %arg10[%dma_wait3A_34, %dma_wait3A_35] : memref<10240x128xf32, #tpu.memory_space<vmem_shared>> -> memref<10240x128xf32, #tpu.memory_space<vmem_shared>>
          tpu.wait_indirect_dma semaphore(%run_scoped3A : memref<!tpu.dma_semaphore, #tpu.memory_space<semaphore_mem>>) src(%arg9 : memref<128x128xf32, #tpu.memory_space<vmem>>) dst(%dma_wait3A_36 : memref<10240x128xf32, #tpu.memory_space<vmem_shared>>)
          tpu.yield
        }) : () -> ()
      }
      %scan3A_13 = arith.constant 46 : i32
    } else {
    }
    %barrier3A_9 = arith.constant 0 : index
    tpu.barrier barrier_id(%barrier3A_9)
    "tpu.region"() ({
      %run_scoped3A = tpu.sem_alloc : memref<!tpu.dma_semaphore, #tpu.memory_space<semaphore_mem>>
      %dma_start3A = arith.constant 0 : i32
      %dma_start3A_10 = tpu.memref_slice %arg6[%arg0, %mul3A_2, %dma_start3A] : memref<2x10240x128xf32, #tpu.memory_space<hbm>> -> memref<1x640x128xf32, #tpu.memory_space<hbm>>
      %dma_start3A_11 = tpu.memref_squeeze %dma_start3A_10 : memref<1x640x128xf32, #tpu.memory_space<hbm>> -> memref<640x128xf32, #tpu.memory_space<hbm>>
      %dma_start3A_12 = arith.constant 0 : i32
      %dma_start3A_13 = tpu.memref_slice %arg10[%mul3A_2, %dma_start3A_12] : memref<10240x128xf32, #tpu.memory_space<vmem_shared>> -> memref<640x128xf32, #tpu.memory_space<vmem_shared>>
      tpu.enqueue_dma source(%dma_start3A_13 : memref<640x128xf32, #tpu.memory_space<vmem_shared>>) target(%dma_start3A_11 : memref<640x128xf32, #tpu.memory_space<hbm>>) target_semaphore(%run_scoped3A : memref<!tpu.dma_semaphore, #tpu.memory_space<semaphore_mem>>)
      %dma_wait3A = arith.constant 0 : i32
      %dma_wait3A_14 = tpu.memref_slice %arg6[%arg0, %mul3A_2, %dma_wait3A] : memref<2x10240x128xf32, #tpu.memory_space<hbm>> -> memref<1x640x128xf32, #tpu.memory_space<hbm>>
      %dma_wait3A_15 = tpu.memref_squeeze %dma_wait3A_14 : memref<1x640x128xf32, #tpu.memory_space<hbm>> -> memref<640x128xf32, #tpu.memory_space<hbm>>
      %dma_wait3A_16 = arith.constant 0 : i32
      %dma_wait3A_17 = tpu.memref_slice %arg10[%mul3A_2, %dma_wait3A_16] : memref<10240x128xf32, #tpu.memory_space<vmem_shared>> -> memref<640x128xf32, #tpu.memory_space<vmem_shared>>
      tpu.wait_dma2 semaphore(%run_scoped3A : memref<!tpu.dma_semaphore, #tpu.memory_space<semaphore_mem>>) src(%dma_wait3A_17 : memref<640x128xf32, #tpu.memory_space<vmem_shared>>) dst(%dma_wait3A_15 : memref<640x128xf32, #tpu.memory_space<hbm>>)
      tpu.yield
    }) : () -> ()
    return
  }
}

#map = affine_map<(d0, d1) -> (0, 0)>
#map1 = affine_map<(d0, d1) -> (0, 0, 0)>
module attributes {stable_mosaic.version = 14 : i64} {
  func.func @_seg_sum(%arg0: i32, %arg1: i32, %arg2: memref<10000x128xf32, #tpu.memory_space<hbm>>, %arg3: memref<32x112x128xi32, #tpu.memory_space<hbm>>, %arg4: memref<32x112x128xi32, #tpu.memory_space<hbm>>, %arg5: memref<10240x128xf32, #tpu.memory_space<hbm>>, %arg6: memref<2x10240x128xf32, #tpu.memory_space<hbm>>, %arg7: memref<112x128xi32, #tpu.memory_space<vmem>>, %arg8: memref<112x128xi32, #tpu.memory_space<vmem>>, %arg9: memref<128x128xf32, #tpu.memory_space<vmem>>, %arg10: memref<10240x128xf32, #tpu.memory_space<vmem_shared>>, %arg11: memref<!tpu.dma_semaphore, #tpu.memory_space<semaphore_mem>>) attributes {dimension_semantics = [#tpu.dimension_semantics<core_parallel>, #tpu.dimension_semantics<subcore_parallel>], iteration_bounds = array<i64: 2, 16>, scalar_prefetch = 0 : i64, scratch_operands = 5 : i64, tpu.core_type = #tpu.core_type<sc_vector_subcore>, window_params = [{transform_indices = #map}, {transform_indices = #map1}, {transform_indices = #map1}, {transform_indices = #map}, {transform_indices = #map1}]} {
    %mul3A = arith.constant 16 : i32
    %mul3A_0 = arith.muli %arg0, %mul3A : i32
    %add3A = arith.addi %mul3A_0, %arg1 : i32
    %mul3A_1 = arith.constant 640 : i32
    %mul3A_2 = arith.muli %arg1, %mul3A_1 : i32
    "tpu.region"() ({
      %run_scoped3A = tpu.sem_alloc : memref<!tpu.dma_semaphore, #tpu.memory_space<semaphore_mem>>
      %dma_start3A = arith.constant 0 : i32
      %dma_start3A_10 = tpu.memref_slice %arg10[%mul3A_2, %dma_start3A] : memref<10240x128xf32, #tpu.memory_space<vmem_shared>> -> memref<640x128xf32, #tpu.memory_space<vmem_shared>>
      %dma_start3A_11 = arith.constant 0 : i32
      %dma_start3A_12 = tpu.memref_slice %arg5[%mul3A_2, %dma_start3A_11] : memref<10240x128xf32, #tpu.memory_space<hbm>> -> memref<640x128xf32, #tpu.memory_space<hbm>>
      tpu.enqueue_dma source(%dma_start3A_12 : memref<640x128xf32, #tpu.memory_space<hbm>>) target(%dma_start3A_10 : memref<640x128xf32, #tpu.memory_space<vmem_shared>>) target_semaphore(%run_scoped3A : memref<!tpu.dma_semaphore, #tpu.memory_space<semaphore_mem>>)
      %dma_wait3A = arith.constant 0 : i32
      %dma_wait3A_13 = tpu.memref_slice %arg10[%mul3A_2, %dma_wait3A] : memref<10240x128xf32, #tpu.memory_space<vmem_shared>> -> memref<640x128xf32, #tpu.memory_space<vmem_shared>>
      %dma_wait3A_14 = arith.constant 0 : i32
      %dma_wait3A_15 = tpu.memref_slice %arg5[%mul3A_2, %dma_wait3A_14] : memref<10240x128xf32, #tpu.memory_space<hbm>> -> memref<640x128xf32, #tpu.memory_space<hbm>>
      tpu.wait_dma2 semaphore(%run_scoped3A : memref<!tpu.dma_semaphore, #tpu.memory_space<semaphore_mem>>) src(%dma_wait3A_15 : memref<640x128xf32, #tpu.memory_space<hbm>>) dst(%dma_wait3A_13 : memref<640x128xf32, #tpu.memory_space<vmem_shared>>)
      tpu.yield
    }) : () -> ()
    "tpu.region"() ({
      %run_scoped3A = tpu.sem_alloc : memref<!tpu.dma_semaphore, #tpu.memory_space<semaphore_mem>>
      %dma_start3A = arith.constant 0 : i32
      %dma_start3A_10 = arith.constant 0 : i32
      %dma_start3A_11 = tpu.memref_slice %arg3[%add3A, %dma_start3A, %dma_start3A_10] : memref<32x112x128xi32, #tpu.memory_space<hbm>> -> memref<1x112x128xi32, #tpu.memory_space<hbm>>
      %dma_start3A_12 = tpu.memref_squeeze %dma_start3A_11 : memref<1x112x128xi32, #tpu.memory_space<hbm>> -> memref<112x128xi32, #tpu.memory_space<hbm>>
      %dma_start3A_13 = arith.constant 0 : i32
      %dma_start3A_14 = arith.constant 0 : i32
      %dma_start3A_15 = tpu.memref_slice %arg3[%add3A, %dma_start3A_13, %dma_start3A_14] : memref<32x112x128xi32, #tpu.memory_space<hbm>> -> memref<1x112x128xi32, #tpu.memory_space<hbm>>
      %dma_start3A_16 = tpu.memref_squeeze %dma_start3A_15 : memref<1x112x128xi32, #tpu.memory_space<hbm>> -> memref<112x128xi32, #tpu.memory_space<hbm>>
      tpu.enqueue_dma source(%dma_start3A_16 : memref<112x128xi32, #tpu.memory_space<hbm>>) target(%arg7 : memref<112x128xi32, #tpu.memory_space<vmem>>) target_semaphore(%run_scoped3A : memref<!tpu.dma_semaphore, #tpu.memory_space<semaphore_mem>>)
      %dma_wait3A = arith.constant 0 : i32
      %dma_wait3A_17 = arith.constant 0 : i32
      %dma_wait3A_18 = tpu.memref_slice %arg3[%add3A, %dma_wait3A, %dma_wait3A_17] : memref<32x112x128xi32, #tpu.memory_space<hbm>> -> memref<1x112x128xi32, #tpu.memory_space<hbm>>
      %dma_wait3A_19 = tpu.memref_squeeze %dma_wait3A_18 : memref<1x112x128xi32, #tpu.memory_space<hbm>> -> memref<112x128xi32, #tpu.memory_space<hbm>>
      %dma_wait3A_20 = arith.constant 0 : i32
      %dma_wait3A_21 = arith.constant 0 : i32
      %dma_wait3A_22 = tpu.memref_slice %arg3[%add3A, %dma_wait3A_20, %dma_wait3A_21] : memref<32x112x128xi32, #tpu.memory_space<hbm>> -> memref<1x112x128xi32, #tpu.memory_space<hbm>>
      %dma_wait3A_23 = tpu.memref_squeeze %dma_wait3A_22 : memref<1x112x128xi32, #tpu.memory_space<hbm>> -> memref<112x128xi32, #tpu.memory_space<hbm>>
      tpu.wait_dma2 semaphore(%run_scoped3A : memref<!tpu.dma_semaphore, #tpu.memory_space<semaphore_mem>>) src(%dma_wait3A_23 : memref<112x128xi32, #tpu.memory_space<hbm>>) dst(%arg7 : memref<112x128xi32, #tpu.memory_space<vmem>>)
      tpu.yield
    }) : () -> ()
    "tpu.region"() ({
      %run_scoped3A = tpu.sem_alloc : memref<!tpu.dma_semaphore, #tpu.memory_space<semaphore_mem>>
      %dma_start3A = arith.constant 0 : i32
      %dma_start3A_10 = arith.constant 0 : i32
      %dma_start3A_11 = tpu.memref_slice %arg4[%add3A, %dma_start3A, %dma_start3A_10] : memref<32x112x128xi32, #tpu.memory_space<hbm>> -> memref<1x112x128xi32, #tpu.memory_space<hbm>>
      %dma_start3A_12 = tpu.memref_squeeze %dma_start3A_11 : memref<1x112x128xi32, #tpu.memory_space<hbm>> -> memref<112x128xi32, #tpu.memory_space<hbm>>
      %dma_start3A_13 = arith.constant 0 : i32
      %dma_start3A_14 = arith.constant 0 : i32
      %dma_start3A_15 = tpu.memref_slice %arg4[%add3A, %dma_start3A_13, %dma_start3A_14] : memref<32x112x128xi32, #tpu.memory_space<hbm>> -> memref<1x112x128xi32, #tpu.memory_space<hbm>>
      %dma_start3A_16 = tpu.memref_squeeze %dma_start3A_15 : memref<1x112x128xi32, #tpu.memory_space<hbm>> -> memref<112x128xi32, #tpu.memory_space<hbm>>
      tpu.enqueue_dma source(%dma_start3A_16 : memref<112x128xi32, #tpu.memory_space<hbm>>) target(%arg8 : memref<112x128xi32, #tpu.memory_space<vmem>>) target_semaphore(%run_scoped3A : memref<!tpu.dma_semaphore, #tpu.memory_space<semaphore_mem>>)
      %dma_wait3A = arith.constant 0 : i32
      %dma_wait3A_17 = arith.constant 0 : i32
      %dma_wait3A_18 = tpu.memref_slice %arg4[%add3A, %dma_wait3A, %dma_wait3A_17] : memref<32x112x128xi32, #tpu.memory_space<hbm>> -> memref<1x112x128xi32, #tpu.memory_space<hbm>>
      %dma_wait3A_19 = tpu.memref_squeeze %dma_wait3A_18 : memref<1x112x128xi32, #tpu.memory_space<hbm>> -> memref<112x128xi32, #tpu.memory_space<hbm>>
      %dma_wait3A_20 = arith.constant 0 : i32
      %dma_wait3A_21 = arith.constant 0 : i32
      %dma_wait3A_22 = tpu.memref_slice %arg4[%add3A, %dma_wait3A_20, %dma_wait3A_21] : memref<32x112x128xi32, #tpu.memory_space<hbm>> -> memref<1x112x128xi32, #tpu.memory_space<hbm>>
      %dma_wait3A_23 = tpu.memref_squeeze %dma_wait3A_22 : memref<1x112x128xi32, #tpu.memory_space<hbm>> -> memref<112x128xi32, #tpu.memory_space<hbm>>
      tpu.wait_dma2 semaphore(%run_scoped3A : memref<!tpu.dma_semaphore, #tpu.memory_space<semaphore_mem>>) src(%dma_wait3A_23 : memref<112x128xi32, #tpu.memory_space<hbm>>) dst(%arg8 : memref<112x128xi32, #tpu.memory_space<vmem>>)
      tpu.yield
    }) : () -> ()
    %barrier3A = arith.constant 0 : index
    tpu.barrier barrier_id(%barrier3A)
    %eq3A = arith.constant 0 : i32
    %eq3A_3 = arith.cmpi eq, %arg0, %eq3A : i32
    %convert_element_type3A = arith.extui %eq3A_3 : i1 to i32
    %cond3A = arith.constant 0 : i32
    %cond3A_4 = arith.cmpi ne, %convert_element_type3A, %cond3A : i32
    scf.if %cond3A_4 {
      %scan3A = arith.constant 0 : i32
      %scan3A_10 = arith.constant 112 : i32
      %scan3A_11 = arith.addi %scan3A, %scan3A_10 : i32
      %scan3A_12 = arith.constant 1 : i32
      scf.for %scan3A_14 = %scan3A to %scan3A_11 step %scan3A_12  : i32 {
        %dma_start3A = arith.constant 0 : i32
        %dma_start3A_15 = tpu.memref_slice %arg7[%scan3A_14, %dma_start3A] : memref<112x128xi32, #tpu.memory_space<vmem>> -> memref<1x128xi32, #tpu.memory_space<vmem>>
        %dma_start3A_16 = tpu.memref_squeeze %dma_start3A_15 : memref<1x128xi32, #tpu.memory_space<vmem>> -> memref<128xi32, #tpu.memory_space<vmem>>
        %dma_start3A_17 = arith.constant 0 : i32
        %dma_start3A_18 = arith.constant 0 : i32
        %dma_start3A_19 = tpu.memref_slice %arg2[%dma_start3A_17, %dma_start3A_18] : memref<10000x128xf32, #tpu.memory_space<hbm>> -> memref<10000x128xf32, #tpu.memory_space<hbm>>
        tpu.enqueue_indirect_dma source(%dma_start3A_19 : memref<10000x128xf32, #tpu.memory_space<hbm>>) target(%arg9 : memref<128x128xf32, #tpu.memory_space<vmem>>) offsets(%dma_start3A_16 : memref<128xi32, #tpu.memory_space<vmem>>) semaphore(%arg11 : memref<!tpu.dma_semaphore, #tpu.memory_space<semaphore_mem>>)
        %dma_wait3A = arith.constant 0 : i32
        %dma_wait3A_20 = tpu.memref_slice %arg7[%scan3A_14, %dma_wait3A] : memref<112x128xi32, #tpu.memory_space<vmem>> -> memref<1x128xi32, #tpu.memory_space<vmem>>
        %dma_wait3A_21 = tpu.memref_squeeze %dma_wait3A_20 : memref<1x128xi32, #tpu.memory_space<vmem>> -> memref<128xi32, #tpu.memory_space<vmem>>
        %dma_wait3A_22 = arith.constant 0 : i32
        %dma_wait3A_23 = arith.constant 0 : i32
        %dma_wait3A_24 = tpu.memref_slice %arg2[%dma_wait3A_22, %dma_wait3A_23] : memref<10000x128xf32, #tpu.memory_space<hbm>> -> memref<10000x128xf32, #tpu.memory_space<hbm>>
        tpu.wait_indirect_dma semaphore(%arg11 : memref<!tpu.dma_semaphore, #tpu.memory_space<semaphore_mem>>) src(%dma_wait3A_24 : memref<10000x128xf32, #tpu.memory_space<hbm>>) dst(%arg9 : memref<128x128xf32, #tpu.memory_space<vmem>>)
        "tpu.region"() ({
          %run_scoped3A = tpu.sem_alloc : memref<!tpu.dma_semaphore, #tpu.memory_space<semaphore_mem>>
          %dma_start3A_25 = arith.constant 0 : i32
          %dma_start3A_26 = tpu.memref_slice %arg8[%scan3A_14, %dma_start3A_25] : memref<112x128xi32, #tpu.memory_space<vmem>> -> memref<1x128xi32, #tpu.memory_space<vmem>>
          %dma_start3A_27 = tpu.memref_squeeze %dma_start3A_26 : memref<1x128xi32, #tpu.memory_space<vmem>> -> memref<128xi32, #tpu.memory_space<vmem>>
          %dma_start3A_28 = arith.constant 0 : i32
          %dma_start3A_29 = arith.constant 0 : i32
          %dma_start3A_30 = tpu.memref_slice %arg10[%dma_start3A_28, %dma_start3A_29] : memref<10240x128xf32, #tpu.memory_space<vmem_shared>> -> memref<10240x128xf32, #tpu.memory_space<vmem_shared>>
          tpu.enqueue_indirect_dma source(%arg9 : memref<128x128xf32, #tpu.memory_space<vmem>>) target(%dma_start3A_30 : memref<10240x128xf32, #tpu.memory_space<vmem_shared>>) offsets(%dma_start3A_27 : memref<128xi32, #tpu.memory_space<vmem>>) semaphore(%run_scoped3A : memref<!tpu.dma_semaphore, #tpu.memory_space<semaphore_mem>>) {add = true}
          %dma_wait3A_31 = arith.constant 0 : i32
          %dma_wait3A_32 = tpu.memref_slice %arg8[%scan3A_14, %dma_wait3A_31] : memref<112x128xi32, #tpu.memory_space<vmem>> -> memref<1x128xi32, #tpu.memory_space<vmem>>
          %dma_wait3A_33 = tpu.memref_squeeze %dma_wait3A_32 : memref<1x128xi32, #tpu.memory_space<vmem>> -> memref<128xi32, #tpu.memory_space<vmem>>
          %dma_wait3A_34 = arith.constant 0 : i32
          %dma_wait3A_35 = arith.constant 0 : i32
          %dma_wait3A_36 = tpu.memref_slice %arg10[%dma_wait3A_34, %dma_wait3A_35] : memref<10240x128xf32, #tpu.memory_space<vmem_shared>> -> memref<10240x128xf32, #tpu.memory_space<vmem_shared>>
          tpu.wait_indirect_dma semaphore(%run_scoped3A : memref<!tpu.dma_semaphore, #tpu.memory_space<semaphore_mem>>) src(%arg9 : memref<128x128xf32, #tpu.memory_space<vmem>>) dst(%dma_wait3A_36 : memref<10240x128xf32, #tpu.memory_space<vmem_shared>>)
          tpu.yield
        }) : () -> ()
      }
      %scan3A_13 = arith.constant 112 : i32
    } else {
    }
    %ne3A = arith.constant 0 : i32
    %ne3A_5 = arith.cmpi ne, %arg0, %ne3A : i32
    %convert_element_type3A_6 = arith.extui %ne3A_5 : i1 to i32
    %cond3A_7 = arith.constant 0 : i32
    %cond3A_8 = arith.cmpi ne, %convert_element_type3A_6, %cond3A_7 : i32
    scf.if %cond3A_8 {
      %scan3A = arith.constant 0 : i32
      %scan3A_10 = arith.constant 46 : i32
      %scan3A_11 = arith.addi %scan3A, %scan3A_10 : i32
      %scan3A_12 = arith.constant 1 : i32
      scf.for %scan3A_14 = %scan3A to %scan3A_11 step %scan3A_12  : i32 {
        %dma_start3A = arith.constant 0 : i32
        %dma_start3A_15 = tpu.memref_slice %arg7[%scan3A_14, %dma_start3A] : memref<112x128xi32, #tpu.memory_space<vmem>> -> memref<1x128xi32, #tpu.memory_space<vmem>>
        %dma_start3A_16 = tpu.memref_squeeze %dma_start3A_15 : memref<1x128xi32, #tpu.memory_space<vmem>> -> memref<128xi32, #tpu.memory_space<vmem>>
        %dma_start3A_17 = arith.constant 0 : i32
        %dma_start3A_18 = arith.constant 0 : i32
        %dma_start3A_19 = tpu.memref_slice %arg2[%dma_start3A_17, %dma_start3A_18] : memref<10000x128xf32, #tpu.memory_space<hbm>> -> memref<10000x128xf32, #tpu.memory_space<hbm>>
        tpu.enqueue_indirect_dma source(%dma_start3A_19 : memref<10000x128xf32, #tpu.memory_space<hbm>>) target(%arg9 : memref<128x128xf32, #tpu.memory_space<vmem>>) offsets(%dma_start3A_16 : memref<128xi32, #tpu.memory_space<vmem>>) semaphore(%arg11 : memref<!tpu.dma_semaphore, #tpu.memory_space<semaphore_mem>>)
        %dma_wait3A = arith.constant 0 : i32
        %dma_wait3A_20 = tpu.memref_slice %arg7[%scan3A_14, %dma_wait3A] : memref<112x128xi32, #tpu.memory_space<vmem>> -> memref<1x128xi32, #tpu.memory_space<vmem>>
        %dma_wait3A_21 = tpu.memref_squeeze %dma_wait3A_20 : memref<1x128xi32, #tpu.memory_space<vmem>> -> memref<128xi32, #tpu.memory_space<vmem>>
        %dma_wait3A_22 = arith.constant 0 : i32
        %dma_wait3A_23 = arith.constant 0 : i32
        %dma_wait3A_24 = tpu.memref_slice %arg2[%dma_wait3A_22, %dma_wait3A_23] : memref<10000x128xf32, #tpu.memory_space<hbm>> -> memref<10000x128xf32, #tpu.memory_space<hbm>>
        tpu.wait_indirect_dma semaphore(%arg11 : memref<!tpu.dma_semaphore, #tpu.memory_space<semaphore_mem>>) src(%dma_wait3A_24 : memref<10000x128xf32, #tpu.memory_space<hbm>>) dst(%arg9 : memref<128x128xf32, #tpu.memory_space<vmem>>)
        "tpu.region"() ({
          %run_scoped3A = tpu.sem_alloc : memref<!tpu.dma_semaphore, #tpu.memory_space<semaphore_mem>>
          %dma_start3A_25 = arith.constant 0 : i32
          %dma_start3A_26 = tpu.memref_slice %arg8[%scan3A_14, %dma_start3A_25] : memref<112x128xi32, #tpu.memory_space<vmem>> -> memref<1x128xi32, #tpu.memory_space<vmem>>
          %dma_start3A_27 = tpu.memref_squeeze %dma_start3A_26 : memref<1x128xi32, #tpu.memory_space<vmem>> -> memref<128xi32, #tpu.memory_space<vmem>>
          %dma_start3A_28 = arith.constant 0 : i32
          %dma_start3A_29 = arith.constant 0 : i32
          %dma_start3A_30 = tpu.memref_slice %arg10[%dma_start3A_28, %dma_start3A_29] : memref<10240x128xf32, #tpu.memory_space<vmem_shared>> -> memref<10240x128xf32, #tpu.memory_space<vmem_shared>>
          tpu.enqueue_indirect_dma source(%arg9 : memref<128x128xf32, #tpu.memory_space<vmem>>) target(%dma_start3A_30 : memref<10240x128xf32, #tpu.memory_space<vmem_shared>>) offsets(%dma_start3A_27 : memref<128xi32, #tpu.memory_space<vmem>>) semaphore(%run_scoped3A : memref<!tpu.dma_semaphore, #tpu.memory_space<semaphore_mem>>) {add = true}
          %dma_wait3A_31 = arith.constant 0 : i32
          %dma_wait3A_32 = tpu.memref_slice %arg8[%scan3A_14, %dma_wait3A_31] : memref<112x128xi32, #tpu.memory_space<vmem>> -> memref<1x128xi32, #tpu.memory_space<vmem>>
          %dma_wait3A_33 = tpu.memref_squeeze %dma_wait3A_32 : memref<1x128xi32, #tpu.memory_space<vmem>> -> memref<128xi32, #tpu.memory_space<vmem>>
          %dma_wait3A_34 = arith.constant 0 : i32
          %dma_wait3A_35 = arith.constant 0 : i32
          %dma_wait3A_36 = tpu.memref_slice %arg10[%dma_wait3A_34, %dma_wait3A_35] : memref<10240x128xf32, #tpu.memory_space<vmem_shared>> -> memref<10240x128xf32, #tpu.memory_space<vmem_shared>>
          tpu.wait_indirect_dma semaphore(%run_scoped3A : memref<!tpu.dma_semaphore, #tpu.memory_space<semaphore_mem>>) src(%arg9 : memref<128x128xf32, #tpu.memory_space<vmem>>) dst(%dma_wait3A_36 : memref<10240x128xf32, #tpu.memory_space<vmem_shared>>)
          tpu.yield
        }) : () -> ()
      }
      %scan3A_13 = arith.constant 46 : i32
    } else {
    }
    %barrier3A_9 = arith.constant 0 : index
    tpu.barrier barrier_id(%barrier3A_9)
    "tpu.region"() ({
      %run_scoped3A = tpu.sem_alloc : memref<!tpu.dma_semaphore, #tpu.memory_space<semaphore_mem>>
      %dma_start3A = arith.constant 0 : i32
      %dma_start3A_10 = tpu.memref_slice %arg6[%arg0, %mul3A_2, %dma_start3A] : memref<2x10240x128xf32, #tpu.memory_space<hbm>> -> memref<1x640x128xf32, #tpu.memory_space<hbm>>
      %dma_start3A_11 = tpu.memref_squeeze %dma_start3A_10 : memref<1x640x128xf32, #tpu.memory_space<hbm>> -> memref<640x128xf32, #tpu.memory_space<hbm>>
      %dma_start3A_12 = arith.constant 0 : i32
      %dma_start3A_13 = tpu.memref_slice %arg10[%mul3A_2, %dma_start3A_12] : memref<10240x128xf32, #tpu.memory_space<vmem_shared>> -> memref<640x128xf32, #tpu.memory_space<vmem_shared>>
      tpu.enqueue_dma source(%dma_start3A_13 : memref<640x128xf32, #tpu.memory_space<vmem_shared>>) target(%dma_start3A_11 : memref<640x128xf32, #tpu.memory_space<hbm>>) target_semaphore(%run_scoped3A : memref<!tpu.dma_semaphore, #tpu.memory_space<semaphore_mem>>)
      %dma_wait3A = arith.constant 0 : i32
      %dma_wait3A_14 = tpu.memref_slice %arg6[%arg0, %mul3A_2, %dma_wait3A] : memref<2x10240x128xf32, #tpu.memory_space<hbm>> -> memref<1x640x128xf32, #tpu.memory_space<hbm>>
      %dma_wait3A_15 = tpu.memref_squeeze %dma_wait3A_14 : memref<1x640x128xf32, #tpu.memory_space<hbm>> -> memref<640x128xf32, #tpu.memory_space<hbm>>
      %dma_wait3A_16 = arith.constant 0 : i32
      %dma_wait3A_17 = tpu.memref_slice %arg10[%mul3A_2, %dma_wait3A_16] : memref<10240x128xf32, #tpu.memory_space<vmem_shared>> -> memref<640x128xf32, #tpu.memory_space<vmem_shared>>
      tpu.wait_dma2 semaphore(%run_scoped3A : memref<!tpu.dma_semaphore, #tpu.memory_space<semaphore_mem>>) src(%dma_wait3A_17 : memref<640x128xf32, #tpu.memory_space<vmem_shared>>) dst(%dma_wait3A_15 : memref<640x128xf32, #tpu.memory_space<hbm>>)
      tpu.yield
    }) : () -> ()
    return
  }
}

module attributes {stable_mosaic.version = 14 : i64} {
  func.func @_h1_body(%arg0: i32, %arg1: memref<2000x128xf32, #tpu.memory_space<vmem>>, %arg2: memref<128x128xf32, #tpu.memory_space<vmem>>, %arg3: memref<2000x16xf32, #tpu.memory_space<vmem>>, %arg4: memref<2000x16xf32, #tpu.memory_space<vmem>>, %arg5: memref<2000x128xf32, #tpu.memory_space<vmem>>) attributes {dimension_semantics = [#tpu.dimension_semantics<arbitrary>], iteration_bounds = array<i64: 5>, scalar_prefetch = 0 : i64, scratch_operands = 0 : i64, tpu.core_type = #tpu.core_type<tc>, window_params = [{transform_indices = @transform_0, window_bounds = array<i64: 2000, 128>}, {pipeline_mode = #tpu.pipeline_mode<synchronous>, transform_indices = @transform_1, window_bounds = array<i64: 128, 128>}, {transform_indices = @transform_2, window_bounds = array<i64: 2000, 16>}, {transform_indices = @transform_3, window_bounds = array<i64: 2000, 16>}, {transform_indices = @transform_4, window_bounds = array<i64: 2000, 128>}]} {
    %get3A = arith.constant 0 : index
    %get3A_0 = arith.constant 0 : index
    %get3A_1 = vector.load %arg1[%get3A, %get3A_0] : memref<2000x128xf32, #tpu.memory_space<vmem>>, vector<2000x128xf32>
    %get3A_2 = arith.constant 0 : index
    %get3A_3 = arith.constant 0 : index
    %get3A_4 = vector.load %arg2[%get3A_2, %get3A_3] : memref<128x128xf32, #tpu.memory_space<vmem>>, vector<128x128xf32>
    %dot_general3A = arith.constant dense<0.000000e+00> : vector<2000x128xf32>
    %dot_general3A_5 = tpu.matmul %get3A_1, %get3A_4, %dot_general3A {dimension_numbers = #tpu.dot_dimension_numbers<[1], [0], [0], [1], [0, 0, 1, 1], [], []>, transpose_lhs_hint = false} : vector<2000x128xf32>, vector<128x128xf32>, vector<2000x128xf32> -> vector<2000x128xf32>
    %get3A_6 = arith.constant 0 : index
    %get3A_7 = arith.constant 0 : index
    %get3A_8 = vector.load %arg3[%get3A_6, %get3A_7] : memref<2000x16xf32, #tpu.memory_space<vmem>>, vector<2000x1xf32>
    %get3A_9 = arith.constant 0 : index
    %get3A_10 = arith.constant 0 : index
    %get3A_11 = vector.load %arg4[%get3A_9, %get3A_10] : memref<2000x16xf32, #tpu.memory_space<vmem>>, vector<2000x1xf32>
    %add3A = arith.addf %get3A_8, %get3A_11 : vector<2000x1xf32>
    %add3A_12 = arith.constant 1.000000e+00 : f32
    %add3A_13 = vector.broadcast %add3A_12 : f32 to vector<2000x1xf32>
    %add3A_14 = arith.addf %add3A, %add3A_13 : vector<2000x1xf32>
    %rsqrt3A = math.rsqrt %add3A_14 : vector<2000x1xf32>
    %mul3A = vector.broadcast %rsqrt3A : vector<2000x1xf32> to vector<2000x128xf32>
    %mul3A_15 = arith.mulf %dot_general3A_5, %mul3A : vector<2000x128xf32>
    %swap3A = arith.constant 0 : index
    %swap3A_16 = arith.constant 0 : index
    %swap3A_17 = vector.load %arg5[%swap3A, %swap3A_16] : memref<2000x128xf32, #tpu.memory_space<vmem>>, vector<2000x128xf32>
    tpu.vector_store %arg5[%swap3A, %swap3A_16], %mul3A_15 {strides = array<i32>} : memref<2000x128xf32, #tpu.memory_space<vmem>>, vector<2000x128xf32>,
    return
  }
  func.func @transform_0(%arg0: i32) -> (i32, i32) {
    %c0_i32 = arith.constant 0 : i32
    %c0_i32_0 = arith.constant 0 : i32
    return %arg0, %c0_i32 : i32, i32
  }
  func.func @transform_1(%arg0: i32) -> (i32, i32) {
    %c0_i32 = arith.constant 0 : i32
    %c0_i32_0 = arith.constant 0 : i32
    %c0_i32_1 = arith.constant 0 : i32
    return %c0_i32, %c0_i32_0 : i32, i32
  }
  func.func @transform_2(%arg0: i32) -> (i32, i32) {
    %c0_i32 = arith.constant 0 : i32
    %c0_i32_0 = arith.constant 0 : i32
    return %arg0, %c0_i32 : i32, i32
  }
  func.func @transform_3(%arg0: i32) -> (i32, i32) {
    %c0_i32 = arith.constant 0 : i32
    %c0_i32_0 = arith.constant 0 : i32
    return %arg0, %c0_i32 : i32, i32
  }
  func.func @transform_4(%arg0: i32) -> (i32, i32) {
    %c0_i32 = arith.constant 0 : i32
    %c0_i32_0 = arith.constant 0 : i32
    return %arg0, %c0_i32 : i32, i32
  }
}

module attributes {stable_mosaic.version = 14 : i64} {
  func.func @_mid_body(%arg0: i32, %arg1: memref<2000x128xf32, #tpu.memory_space<vmem>>, %arg2: memref<2000x128xf32, #tpu.memory_space<vmem>>, %arg3: memref<2000x128xf32, #tpu.memory_space<vmem>>, %arg4: memref<2000x16xf32, #tpu.memory_space<vmem>>, %arg5: memref<2000x16xf32, #tpu.memory_space<vmem>>, %arg6: memref<1x128xf32, #tpu.memory_space<vmem>>, %arg7: memref<128x128xf32, #tpu.memory_space<vmem>>, %arg8: memref<2000x128xf32, #tpu.memory_space<vmem>>, %arg9: memref<2000x128xf32, #tpu.memory_space<vmem>>) attributes {dimension_semantics = [#tpu.dimension_semantics<arbitrary>], iteration_bounds = array<i64: 5>, scalar_prefetch = 0 : i64, scratch_operands = 0 : i64, tpu.core_type = #tpu.core_type<tc>, window_params = [{transform_indices = @transform_0, window_bounds = array<i64: 2000, 128>}, {transform_indices = @transform_1, window_bounds = array<i64: 2000, 128>}, {transform_indices = @transform_2, window_bounds = array<i64: 2000, 128>}, {transform_indices = @transform_3, window_bounds = array<i64: 2000, 16>}, {transform_indices = @transform_4, window_bounds = array<i64: 2000, 16>}, {pipeline_mode = #tpu.pipeline_mode<synchronous>, transform_indices = @transform_5, window_bounds = array<i64: 1, 128>}, {pipeline_mode = #tpu.pipeline_mode<synchronous>, transform_indices = @transform_6, window_bounds = array<i64: 128, 128>}, {transform_indices = @transform_7, window_bounds = array<i64: 2000, 128>}, {transform_indices = @transform_8, window_bounds = array<i64: 2000, 128>}]} {
    %get3A = arith.constant 0 : index
    %get3A_0 = arith.constant 0 : index
    %get3A_1 = vector.load %arg4[%get3A, %get3A_0] : memref<2000x16xf32, #tpu.memory_space<vmem>>, vector<2000x1xf32>
    %get3A_2 = arith.constant 0 : index
    %get3A_3 = arith.constant 0 : index
    %get3A_4 = vector.load %arg5[%get3A_2, %get3A_3] : memref<2000x16xf32, #tpu.memory_space<vmem>>, vector<2000x1xf32>
    %add3A = arith.addf %get3A_1, %get3A_4 : vector<2000x1xf32>
    %add3A_5 = arith.constant 1.000000e+00 : f32
    %add3A_6 = vector.broadcast %add3A_5 : f32 to vector<2000x1xf32>
    %add3A_7 = arith.addf %add3A, %add3A_6 : vector<2000x1xf32>
    %rsqrt3A = math.rsqrt %add3A_7 : vector<2000x1xf32>
    %get3A_8 = arith.constant 0 : index
    %get3A_9 = arith.constant 0 : index
    %get3A_10 = vector.load %arg1[%get3A_8, %get3A_9] : memref<2000x128xf32, #tpu.memory_space<vmem>>, vector<2000x128xf32>
    %get3A_11 = arith.constant 0 : index
    %get3A_12 = arith.constant 0 : index
    %get3A_13 = vector.load %arg2[%get3A_11, %get3A_12] : memref<2000x128xf32, #tpu.memory_space<vmem>>, vector<2000x128xf32>
    %add3A_14 = arith.addf %get3A_10, %get3A_13 : vector<2000x128xf32>
    %get3A_15 = arith.constant 0 : index
    %get3A_16 = arith.constant 0 : index
    %get3A_17 = vector.load %arg3[%get3A_15, %get3A_16] : memref<2000x128xf32, #tpu.memory_space<vmem>>, vector<2000x128xf32>
    %add3A_18 = arith.addf %add3A_14, %get3A_17 : vector<2000x128xf32>
    %mul3A = vector.broadcast %rsqrt3A : vector<2000x1xf32> to vector<2000x128xf32>
    %mul3A_19 = arith.mulf %mul3A, %add3A_18 : vector<2000x128xf32>
    %get3A_20 = arith.constant 0 : index
    %get3A_21 = arith.constant 0 : index
    %get3A_22 = vector.load %arg6[%get3A_20, %get3A_21] : memref<1x128xf32, #tpu.memory_space<vmem>>, vector<1x128xf32>
    %add3A_23 = vector.broadcast %get3A_22 : vector<1x128xf32> to vector<2000x128xf32>
    %add3A_24 = arith.addf %mul3A_19, %add3A_23 : vector<2000x128xf32>
    %swap3A = arith.constant 0 : index
    %swap3A_25 = arith.constant 0 : index
    %swap3A_26 = vector.load %arg8[%swap3A, %swap3A_25] : memref<2000x128xf32, #tpu.memory_space<vmem>>, vector<2000x128xf32>
    tpu.vector_store %arg8[%swap3A, %swap3A_25], %add3A_24 {strides = array<i32>} : memref<2000x128xf32, #tpu.memory_space<vmem>>, vector<2000x128xf32>,
    %get3A_27 = arith.constant 0 : index
    %get3A_28 = arith.constant 0 : index
    %get3A_29 = vector.load %arg7[%get3A_27, %get3A_28] : memref<128x128xf32, #tpu.memory_space<vmem>>, vector<128x128xf32>
    %dot_general3A = arith.constant dense<0.000000e+00> : vector<2000x128xf32>
    %dot_general3A_30 = tpu.matmul %add3A_24, %get3A_29, %dot_general3A {dimension_numbers = #tpu.dot_dimension_numbers<[1], [0], [0], [1], [0, 0, 1, 1], [], []>, transpose_lhs_hint = false} : vector<2000x128xf32>, vector<128x128xf32>, vector<2000x128xf32> -> vector<2000x128xf32>
    %mul3A_31 = vector.broadcast %rsqrt3A : vector<2000x1xf32> to vector<2000x128xf32>
    %mul3A_32 = arith.mulf %dot_general3A_30, %mul3A_31 : vector<2000x128xf32>
    %swap3A_33 = arith.constant 0 : index
    %swap3A_34 = arith.constant 0 : index
    %swap3A_35 = vector.load %arg9[%swap3A_33, %swap3A_34] : memref<2000x128xf32, #tpu.memory_space<vmem>>, vector<2000x128xf32>
    tpu.vector_store %arg9[%swap3A_33, %swap3A_34], %mul3A_32 {strides = array<i32>} : memref<2000x128xf32, #tpu.memory_space<vmem>>, vector<2000x128xf32>,
    return
  }
  func.func @transform_0(%arg0: i32) -> (i32, i32) {
    %c0_i32 = arith.constant 0 : i32
    %c0_i32_0 = arith.constant 0 : i32
    return %arg0, %c0_i32 : i32, i32
  }
  func.func @transform_1(%arg0: i32) -> (i32, i32) {
    %c0_i32 = arith.constant 0 : i32
    %c0_i32_0 = arith.constant 0 : i32
    return %arg0, %c0_i32 : i32, i32
  }
  func.func @transform_2(%arg0: i32) -> (i32, i32) {
    %c0_i32 = arith.constant 0 : i32
    %c0_i32_0 = arith.constant 0 : i32
    return %arg0, %c0_i32 : i32, i32
  }
  func.func @transform_3(%arg0: i32) -> (i32, i32) {
    %c0_i32 = arith.constant 0 : i32
    %c0_i32_0 = arith.constant 0 : i32
    return %arg0, %c0_i32 : i32, i32
  }
  func.func @transform_4(%arg0: i32) -> (i32, i32) {
    %c0_i32 = arith.constant 0 : i32
    %c0_i32_0 = arith.constant 0 : i32
    return %arg0, %c0_i32 : i32, i32
  }
  func.func @transform_5(%arg0: i32) -> (i32, i32) {
    %c0_i32 = arith.constant 0 : i32
    %c0_i32_0 = arith.constant 0 : i32
    %c0_i32_1 = arith.constant 0 : i32
    return %c0_i32, %c0_i32_0 : i32, i32
  }
  func.func @transform_6(%arg0: i32) -> (i32, i32) {
    %c0_i32 = arith.constant 0 : i32
    %c0_i32_0 = arith.constant 0 : i32
    %c0_i32_1 = arith.constant 0 : i32
    return %c0_i32, %c0_i32_0 : i32, i32
  }
  func.func @transform_7(%arg0: i32) -> (i32, i32) {
    %c0_i32 = arith.constant 0 : i32
    %c0_i32_0 = arith.constant 0 : i32
    return %arg0, %c0_i32 : i32, i32
  }
  func.func @transform_8(%arg0: i32) -> (i32, i32) {
    %c0_i32 = arith.constant 0 : i32
    %c0_i32_0 = arith.constant 0 : i32
    return %arg0, %c0_i32 : i32, i32
  }
}

module attributes {stable_mosaic.version = 14 : i64} {
  func.func @_fin_body(%arg0: i32, %arg1: memref<2000x128xf32, #tpu.memory_space<vmem>>, %arg2: memref<2000x128xf32, #tpu.memory_space<vmem>>, %arg3: memref<2000x128xf32, #tpu.memory_space<vmem>>, %arg4: memref<2000x16xf32, #tpu.memory_space<vmem>>, %arg5: memref<2000x16xf32, #tpu.memory_space<vmem>>, %arg6: memref<1x128xf32, #tpu.memory_space<vmem>>, %arg7: memref<2000x128xf32, #tpu.memory_space<vmem>>, %arg8: memref<2000x128xf32, #tpu.memory_space<vmem>>, %arg9: memref<2000x128xf32, #tpu.memory_space<vmem>>, %arg10: memref<2000x128xf32, #tpu.memory_space<vmem>>) attributes {dimension_semantics = [#tpu.dimension_semantics<arbitrary>], iteration_bounds = array<i64: 5>, scalar_prefetch = 0 : i64, scratch_operands = 0 : i64, tpu.core_type = #tpu.core_type<tc>, window_params = [{transform_indices = @transform_0, window_bounds = array<i64: 2000, 128>}, {transform_indices = @transform_1, window_bounds = array<i64: 2000, 128>}, {transform_indices = @transform_2, window_bounds = array<i64: 2000, 128>}, {transform_indices = @transform_3, window_bounds = array<i64: 2000, 16>}, {transform_indices = @transform_4, window_bounds = array<i64: 2000, 16>}, {pipeline_mode = #tpu.pipeline_mode<synchronous>, transform_indices = @transform_5, window_bounds = array<i64: 1, 128>}, {transform_indices = @transform_6, window_bounds = array<i64: 2000, 128>}, {transform_indices = @transform_7, window_bounds = array<i64: 2000, 128>}, {transform_indices = @transform_8, window_bounds = array<i64: 2000, 128>}, {transform_indices = @transform_9, window_bounds = array<i64: 2000, 128>}]} {
    %get3A = arith.constant 0 : index
    %get3A_0 = arith.constant 0 : index
    %get3A_1 = vector.load %arg4[%get3A, %get3A_0] : memref<2000x16xf32, #tpu.memory_space<vmem>>, vector<2000x1xf32>
    %get3A_2 = arith.constant 0 : index
    %get3A_3 = arith.constant 0 : index
    %get3A_4 = vector.load %arg5[%get3A_2, %get3A_3] : memref<2000x16xf32, #tpu.memory_space<vmem>>, vector<2000x1xf32>
    %add3A = arith.addf %get3A_1, %get3A_4 : vector<2000x1xf32>
    %add3A_5 = arith.constant 1.000000e+00 : f32
    %add3A_6 = vector.broadcast %add3A_5 : f32 to vector<2000x1xf32>
    %add3A_7 = arith.addf %add3A, %add3A_6 : vector<2000x1xf32>
    %rsqrt3A = math.rsqrt %add3A_7 : vector<2000x1xf32>
    %get3A_8 = arith.constant 0 : index
    %get3A_9 = arith.constant 0 : index
    %get3A_10 = vector.load %arg1[%get3A_8, %get3A_9] : memref<2000x128xf32, #tpu.memory_space<vmem>>, vector<2000x128xf32>
    %get3A_11 = arith.constant 0 : index
    %get3A_12 = arith.constant 0 : index
    %get3A_13 = vector.load %arg2[%get3A_11, %get3A_12] : memref<2000x128xf32, #tpu.memory_space<vmem>>, vector<2000x128xf32>
    %add3A_14 = arith.addf %get3A_10, %get3A_13 : vector<2000x128xf32>
    %get3A_15 = arith.constant 0 : index
    %get3A_16 = arith.constant 0 : index
    %get3A_17 = vector.load %arg3[%get3A_15, %get3A_16] : memref<2000x128xf32, #tpu.memory_space<vmem>>, vector<2000x128xf32>
    %add3A_18 = arith.addf %add3A_14, %get3A_17 : vector<2000x128xf32>
    %mul3A = vector.broadcast %rsqrt3A : vector<2000x1xf32> to vector<2000x128xf32>
    %mul3A_19 = arith.mulf %mul3A, %add3A_18 : vector<2000x128xf32>
    %get3A_20 = arith.constant 0 : index
    %get3A_21 = arith.constant 0 : index
    %get3A_22 = vector.load %arg6[%get3A_20, %get3A_21] : memref<1x128xf32, #tpu.memory_space<vmem>>, vector<1x128xf32>
    %add3A_23 = vector.broadcast %get3A_22 : vector<1x128xf32> to vector<2000x128xf32>
    %add3A_24 = arith.addf %mul3A_19, %add3A_23 : vector<2000x128xf32>
    %swap3A = arith.constant 0 : index
    %swap3A_25 = arith.constant 0 : index
    %swap3A_26 = vector.load %arg9[%swap3A, %swap3A_25] : memref<2000x128xf32, #tpu.memory_space<vmem>>, vector<2000x128xf32>
    tpu.vector_store %arg9[%swap3A, %swap3A_25], %add3A_24 {strides = array<i32>} : memref<2000x128xf32, #tpu.memory_space<vmem>>, vector<2000x128xf32>,
    %get3A_27 = arith.constant 0 : index
    %get3A_28 = arith.constant 0 : index
    %get3A_29 = vector.load %arg7[%get3A_27, %get3A_28] : memref<2000x128xf32, #tpu.memory_space<vmem>>, vector<2000x128xf32>
    %get3A_30 = arith.constant 0 : index
    %get3A_31 = arith.constant 0 : index
    %get3A_32 = vector.load %arg8[%get3A_30, %get3A_31] : memref<2000x128xf32, #tpu.memory_space<vmem>>, vector<2000x128xf32>
    %add3A_33 = arith.addf %get3A_29, %get3A_32 : vector<2000x128xf32>
    %add3A_34 = arith.addf %add3A_33, %add3A_24 : vector<2000x128xf32>
    %swap3A_35 = arith.constant 0 : index
    %swap3A_36 = arith.constant 0 : index
    %swap3A_37 = vector.load %arg10[%swap3A_35, %swap3A_36] : memref<2000x128xf32, #tpu.memory_space<vmem>>, vector<2000x128xf32>
    tpu.vector_store %arg10[%swap3A_35, %swap3A_36], %add3A_34 {strides = array<i32>} : memref<2000x128xf32, #tpu.memory_space<vmem>>, vector<2000x128xf32>,
    return
  }
  func.func @transform_0(%arg0: i32) -> (i32, i32) {
    %c0_i32 = arith.constant 0 : i32
    %c0_i32_0 = arith.constant 0 : i32
    return %arg0, %c0_i32 : i32, i32
  }
  func.func @transform_1(%arg0: i32) -> (i32, i32) {
    %c0_i32 = arith.constant 0 : i32
    %c0_i32_0 = arith.constant 0 : i32
    return %arg0, %c0_i32 : i32, i32
  }
  func.func @transform_2(%arg0: i32) -> (i32, i32) {
    %c0_i32 = arith.constant 0 : i32
    %c0_i32_0 = arith.constant 0 : i32
    return %arg0, %c0_i32 : i32, i32
  }
  func.func @transform_3(%arg0: i32) -> (i32, i32) {
    %c0_i32 = arith.constant 0 : i32
    %c0_i32_0 = arith.constant 0 : i32
    return %arg0, %c0_i32 : i32, i32
  }
  func.func @transform_4(%arg0: i32) -> (i32, i32) {
    %c0_i32 = arith.constant 0 : i32
    %c0_i32_0 = arith.constant 0 : i32
    return %arg0, %c0_i32 : i32, i32
  }
  func.func @transform_5(%arg0: i32) -> (i32, i32) {
    %c0_i32 = arith.constant 0 : i32
    %c0_i32_0 = arith.constant 0 : i32
    %c0_i32_1 = arith.constant 0 : i32
    return %c0_i32, %c0_i32_0 : i32, i32
  }
  func.func @transform_6(%arg0: i32) -> (i32, i32) {
    %c0_i32 = arith.constant 0 : i32
    %c0_i32_0 = arith.constant 0 : i32
    return %arg0, %c0_i32 : i32, i32
  }
  func.func @transform_7(%arg0: i32) -> (i32, i32) {
    %c0_i32 = arith.constant 0 : i32
    %c0_i32_0 = arith.constant 0 : i32
    return %arg0, %c0_i32 : i32, i32
  }
  func.func @transform_8(%arg0: i32) -> (i32, i32) {
    %c0_i32 = arith.constant 0 : i32
    %c0_i32_0 = arith.constant 0 : i32
    return %arg0, %c0_i32 : i32, i32
  }
  func.func @transform_9(%arg0: i32) -> (i32, i32) {
    %c0_i32 = arith.constant 0 : i32
    %c0_i32_0 = arith.constant 0 : i32
    return %arg0, %c0_i32 : i32, i32
  }
}

</mosaic_0001>

<sc_bundles>
// kernel: kernel.11.cloned.1.call-start
scs
__scs_entry_jumppad:
0x0: {  	(pc) =	sbr.rel $0x88, $3  }
0x1: {  	(tag) =	ssettag $0x0;
	lr =	simm.s32 $0x1  }
0x2: {  	[smem:$0x3F9B] =	sst lr;
	_ =	strace $0xD0000000  }
0x3: {  	_ = 	snop  }
0x4: {  	_ = 	snop  }
0x5: {  	_ = 	snop  }
0x6: {  	_ = 	snop  }
0x7: {  	_ = 	snop  }
__scs_overlays_trampoline_lowered:
0x8: {  	[smem:$0x3FAA] =	sst s0  }
0x9: {  	[smem:$0x3FAB] =	sst s1  }
0xa: {  	[smem:$0x3FAC] =	sst s2  }
0xb: {  	[smem:$0x3FAD] =	sst s3  }
0xc: {  	[smem:$0x3FAE] =	sst s4  }
0xd: {  	[smem:$0x3FAF] =	sst s5  }
0xe: {  	[smem:$0x3FB0] =	sst s6  }
0xf: {  	[smem:$0x3FB1] =	sst s7  }
0x10: {  	[smem:$0x3FB2] =	sst s8  }
0x11: {  	[smem:$0x3FB3] =	sst s9;
	s0 =	simm.s32 @!p0 $0x0  }
0x12: {  	s1 =	sld [smem:$0x3F99];
	s0 =	simm.s32 @p0 $0x1  }
0x13: {  	[smem:$0x3FB4] =	sst s0;
	s0 =	simm.s32 @!p1 $0x0  }
0x14: {  	s2 =	sld [smem:$0x3F98];
	s0 =	simm.s32 @p1 $0x1  }
0x15: {  	[smem:$0x3FB5] =	sst s0;
	s0 =	simm.s32 @!p2 $0x0  }
0x16: {  	s3 =	sld [smem:$0x3FDB];
	s0 =	simm.s32 @p2 $0x1  }
0x17: {  	s4 =	simm.s32 $0x1BF5;
	[smem:$0x3FB7] =	sst s0  }
0x18: {  	s0 =	sld [smem:$0x3F9A];
	_ =	swait.ge [sflag:s4], $0x0  }
0x19: {  	s7 =	sld [smem:$0x3F9B]  }
0x1a: {  	s8 =	sadd.s32 $0xFFFFE003, lr  }
0x1b: {  	s9 =	sadd.s32 $0xFFFFFEF7, lr;
	s5 =	simm.s32 $0xFFFFFFFF;
	p2 =	slt.u32 s8, $0xFFFFF086  }
0x1c: {  	p1 =	slt.u32 s9, $0xF7A;
	s5 =	simm.s32 @!p2 $0x0  }
0x1d: {  	s5 =	simm.s32 @p1 $0x1;
	p0 =	seq.s32 s7, s2  }
0x1e: {  	s7 =	smul.u32 @!p0 $0xF7A, s2;
	p2 =	seq.s32 @!p0 s5, $0x0  }
0x1f: {  	s9 =	smul.u32 $0xF7A, s1;
	s8 =	simm.s32 @!p0 $0x1BF5;
	p2 =	por !p2, p0  }
0x20: {  	[sflag:s8] =	ssyncset.s32 @!p0 $0xFFFFF086;
	s6 =	sadd.s32 @!p0 s3, s7;
	s7 =	simm.s32 @!p0 $0x108  }
0x21: {  	s3 =	sadd.s32 s3, s9;
	s6 =	sadd.s32 @!p0 $0x88, s6;
	s7 =	simm.s32 @p2 $0x1082  }
0x22: {  	[simem:s7], [sflag:s8] =	dma.local @!p0 [hbm:s6], $0xF7A  }
0x23: {  	s9 =	sor.u32 $0xD0000000, s2;
	s6 =	simm.s32 $0x108;
	_ =	swait.ge @!p0 [sflag:s8], $0x0  }
0x24: {  	s3 =	sadd.s32 $0x88, s3;
	s6 =	simm.s32 @!p1 $0x1082;
	[sflag:s4] =	ssyncset.s32 $0xFFFFF086  }
0x25: {  	[simem:s6], [sflag:s4] =	dma.local [hbm:s3], $0xF7A  }
0x26: {  	[smem:$0x3F9B] =	sst s1;
	(tag) =	ssettag s2;
	_ =	strace s9  }
0x27: {  	s1 =	sld [smem:$0x3FAB]  }
0x28: {  	s2 =	sld [smem:$0x3FAC]  }
0x29: {  	s4 =	sld [smem:$0x3FAE]  }
0x2a: {  	p0 =	seq.s32 s5, $0x0;
	s5 =	sld [smem:$0x3FAF]  }
0x2b: {  	s6 =	sld [smem:$0x3FB0]  }
0x2c: {  	s7 =	sld [smem:$0x3FB1]  }
0x2d: {  	s3 =	simm.s32 $0x108;
	s8 =	sld [smem:$0x3FB2]  }
0x2e: {  	s3 =	simm.s32 @!p0 $0x1082;
	s9 =	sld [smem:$0x3FB3]  }
0x2f: {  	lr =	sadd.s32 s0, s3;
	s0 =	sld [smem:$0x3FAA]  }
0x30: {  	s3 =	sld [smem:$0x3FAD]  }
0x31: {  	[smem:$0x3FB6] =	sst s10  }
0x32: {  	s10 =	sld [smem:$0x3FB4];
	_ =	sdelay $0x3  }
0x33: {  	p0 =	seq.s32 s10, $0x1;
	s10 =	sld [smem:$0x3FB6];
	_ =	sdelay $0x3  }
0x34: {  	[smem:$0x3FB6] =	sst s10  }
0x35: {  	s10 =	sld [smem:$0x3FB5];
	_ =	sdelay $0x3  }
0x36: {  	p1 =	seq.s32 s10, $0x1;
	s10 =	sld [smem:$0x3FB6];
	_ =	sdelay $0x3  }
0x37: {  	[smem:$0x3FB6] =	sst s10  }
0x38: {  	s10 =	sld [smem:$0x3FB7]  }
0x39: {  	_ = 	snop;
	(pc) =	sbr.ind lr, $3  }
0x3a: {  	_ = 	snop  }
0x3b: {  	_ = 	snop  }
0x3c: {  	p2 =	seq.s32 s10, $0x1;
	s10 =	sld [smem:$0x3FB6]  }
0x3d: {  	_ =	shalt  }
0x3e: {  	_ =	shalt  }
0x3f: {  	_ =	shalt  }
0x40: {  	_ =	shalt  }
0x41: {  	_ =	shalt  }
0x42: {  	_ =	shalt  }
0x43: {  	_ =	shalt  }
0x44: {  	_ =	shalt  }
0x45: {  	_ =	shalt  }
0x46: {  	_ =	shalt  }
0x47: {  	_ =	shalt  }
0x48: {  	_ =	shalt  }
0x49: {  	_ =	shalt  }
0x4a: {  	_ =	shalt  }
0x4b: {  	_ =	shalt  }
0x4c: {  	_ =	shalt  }
0x4d: {  	_ =	shalt  }
0x4e: {  	_ =	shalt  }
0x4f: {  	_ =	shalt  }
0x50: {  	_ =	shalt  }
0x51: {  	_ =	shalt  }
0x52: {  	_ =	shalt  }
0x53: {  	_ =	shalt  }
0x54: {  	_ =	shalt  }
0x55: {  	_ =	shalt  }
0x56: {  	_ =	shalt  }
0x57: {  	_ =	shalt  }
0x58: {  	_ =	shalt  }
0x59: {  	_ =	shalt  }
0x5a: {  	_ =	shalt  }
0x5b: {  	_ =	shalt  }
0x5c: {  	_ =	shalt  }
0x5d: {  	_ =	shalt  }
0x5e: {  	_ =	shalt  }
0x5f: {  	_ =	shalt  }
0x60: {  	_ =	shalt  }
0x61: {  	_ =	shalt  }
0x62: {  	_ =	shalt  }
0x63: {  	_ =	shalt  }
0x64: {  	_ =	shalt  }
0x65: {  	_ =	shalt  }
0x66: {  	_ =	shalt  }
0x67: {  	_ =	shalt  }
0x68: {  	_ =	shalt  }
0x69: {  	_ =	shalt  }
0x6a: {  	_ =	shalt  }
0x6b: {  	_ =	shalt  }
0x6c: {  	_ =	shalt  }
0x6d: {  	_ =	shalt  }
0x6e: {  	_ =	shalt  }
0x6f: {  	_ =	shalt  }
0x70: {  	_ =	shalt  }
0x71: {  	_ =	shalt  }
0x72: {  	_ =	shalt  }
0x73: {  	_ =	shalt  }
0x74: {  	_ =	shalt  }
0x75: {  	_ =	shalt  }
0x76: {  	_ =	shalt  }
0x77: {  	_ =	shalt  }
0x78: {  	_ =	shalt  }
0x79: {  	_ =	shalt  }
0x7a: {  	_ =	shalt  }
0x7b: {  	_ =	shalt  }
0x7c: {  	_ =	shalt  }
0x7d: {  	_ =	shalt  }
0x7e: {  	_ =	shalt  }
0x7f: {  	_ =	shalt  }
0x80: {  	_ =	shalt  }
0x81: {  	_ =	shalt  }
0x82: {  	_ =	shalt  }
0x83: {  	_ =	shalt  }
0x84: {  	_ =	shalt  }
0x85: {  	_ =	shalt  }
0x86: {  	_ =	shalt  }
0x87: {  	_ =	shalt  }
.Lfunc_end0:
.L_simem_size_0:
called_computation.1_lowered:
.L_overlay_start_0:
0x88: {  	s2 =	sld [smem:$0x3FD9]  }
0x89: {  	s3 =	sld [smem:$0x3FFE];
	_ =	sdelay $0x1  }
0x8a: {  	s1 =	srdreg.scid  }
0x8b: {  	s0 =	sand.u32 $0x1, s1  }
0x8c: {  	s14 =	sshll.u32 s0, $0xA;
	s2 =	sadd.s32 s3, s2  }
0x8d: {  	s2 =	sadd.s32 s2, s14  }
0x8e: {  	[smem:$0x3FC2] =	sst s2  }
0x8f: {  	_ = 	snop  }
0x90: {  	s2 =	sld [smem:$0x3FD0];
	_ =	sdelay $0x2  }
0x91: {  	s15 =	simm.s32 $0xA;
	s4 =	simm.s32 $0x10  }
0x92: {  	[smem:s4], [sflag:s15] =	dma.local [hbm:s2], $0x1  }
0x93: {  	_ =	swait.eq [sflag:s15], $0x1  }
0x94: {  	[sflag:s15] =	ssyncset.done $0x0  }
0x95: {  	[sflag:s15] =	ssyncadd.s32 $0xFFFFFFFF  }
0x96: {  	s16 =	sld [smem:$0x10];
	(tm) =	ssettm $0x1  }
0x97: {  	s17 =	sld [smem:$0x3FFB];
	_ =	sdelay $0x3  }
0x98: {  	_ =	strace s17  }
0x99: {  	s3 =	sld [smem:$0x3FFC];
	_ =	sdelay $0x3  }
0x9a: {  	_ =	strace s3  }
0x9b: {  	s3 =	sld [smem:$0x3FFD];
	_ =	sdelay $0x3  }
0x9c: {  	_ =	strace s3  }
0x9d: {  	_ =	strace $0x8FFFFFFF  }
0x9e: {  	s18 =	sld [smem:$0x3FDB];
	_ =	sdelay $0x1  }
0x9f: {  	s19 =	simm.s32 $_scs_section_size  }
0xa0: {  	s5 =	simm.s32 $_size__tile_overlayer_lowered;
	s6 =	simm.s32 $_tile_overlayer_lowered  }
0xa1: {  	s22 =	simm.s32 $0x1BFF;
	s21 =	sshll.u32 s6, $0x1;
	s3 =	sadd.s32 s19, s18  }
0xa2: {  	s7 =	simm.s32 $0x0;
	s20 =	sshll.u32 s5, $0x1;
	s5 =	sadd.s32 s21, s3  }
0xa3: {  	[timem:s7], [sflag:s22] =	dma.local [hbm:s5], s20  }
0xa4: {  	_ =	swait.ge [sflag:s22], s20  }
0xa5: {  	s4 =	ssub.s32 $0x0, s20;
	[sflag:s22] =	ssyncset.done $0x0  }
0xa6: {  	[sflag:s22] =	ssyncadd.s32 s4;
	_ =	sdelay $0x1  }
0xa7: {  	s23 =	simm.s32 $0x1B8B  }
0xa8: {  	_ =	swait.ge [sflag:s23], $0x1  }
0xa9: {  	[sflag:s23] =	ssyncset.done $0x0  }
0xaa: {  	s25 =	simm.s32 $0x1B8E;
	s24 =	sld [smem:$0x3FFE];
	[sflag:s23] =	ssyncadd.s32 $0xFFFFFFFF  }
0xab: {  	s26 =	simm.s32 $execute0_lowered;
	[smem:$0x3FD2] =	sst s25  }
0xac: {  	s5 =	sshll.u32 s26, $0x1;
	_ =	strace $0x80000049;
	[dreg:$0x1] =	wrdreg $0xFFFFFFFF  }
0xad: {  	s28 =	simm.s32 $_size_execute0_lowered;
	s3 =	sadd.s32 s3, s5;
	[dreg:$0x0] =	wrdreg $0x0  }
0xae: {  	s5 =	sshll.u32 s28, $0x1;
	[dreg:$0x2] =	wrdreg s3  }
0xaf: {  	[dreg:$0x3] =	wrdreg s5  }
0xb0: {  	[dreg:$0x4] =	wrdreg $0xC0  }
0xb1: {  	_ =	task [dreg:s7], $0x5FFFF  }
0xb2: {  	[dreg:$0x1] =	wrdreg $0xFFFFFFFF  }
0xb3: {  	[dreg:$0x0] =	wrdreg $0x60  }
0xb4: {  	[dreg:$0x2] =	wrdreg s16  }
0xb5: {  	[dreg:$0x3] =	wrdreg s24  }
0xb6: {  	[dreg:$0x4] =	wrdreg $0xB0000  }
0xb7: {  	[dreg:$0x5] =	wrdreg $0x9  }
0xb8: {  	_ =	task.clear_ibuf [dreg:s7], $0x6FFFF;
	_ =	strace $0x90000049  }
0xb9: {  	s29 =	simm.s32 $0x9;
	_ =	strace $0x8000004B  }
0xba: {  	_ =	swait.ge [sflag:s29], $0x1  }
0xbb: {  	[sflag:s29] =	ssyncadd.s32 $0xFFFFFFFF  }
0xbc: {  	_ =	strace $0x9000004B  }
0xbd: {  	_ =	sfence  }
0xbe: {  	s30 =	sld [smem:$0x0];
	_ =	sdelay $0x2  }
0xbf: {  	s31 =	sshll.u32 s1, $0xD;
	s1 =	sshrl.u32 s1, $0x2  }
0xc0: {  	s3 =	sand.u32 $0x4000, s31;
	s1 =	sadd.s32 s1, s30  }
0xc1: {  	s0 =	sor.u32 s3, s0;
	s1 =	sshll.u32 s1, $0x11  }
0xc2: {  	s0 =	sor.u32 s1, s0  }
0xc3: {  	s0 =	sadd.s32 $0x8F2B, s0  }
0xc4: {  	[sflag:s0] =	ssyncadd.remote.s32 $0x1  }
0xc5: {  	_ =	sfence.sel $0xFFFF  }
0xc6: {  	[dreg:$0x0] =	wrdreg $0xFFFFFFFF;
	(pc) =	sbr.abs _section_cstart, $3  }
0xc7: {  	[dreg:$0x1] =	wrdreg $0xFFFFFFFF  }
0xc8: {  	_ =	task.clear_ibuf [dreg:s7], $0x2FFFF;
	_ =	strace $0x9FFFFFFF  }
0xc9: {  	(tm) =	ssettm $0x7FFFFFFF  }
tec
execute0_lowered:
.L_overlay_start_1:
0x0: {  	(tag) =	ssettag $0x1  }
0x1: {  	s1 =	rddreg [dreg:$0x0]  }
0x2: {  	s5 =	rddreg [dreg:$0x1]  }
0x3: {  	s0 =	srdreg.scid;
	s3 =	rddreg [dreg:$0x2]  }
0x4: {  	s4 =	simm.s32 $0x0;
	s11 =	sand.u32 $0x1, s0;
	s0 =	stileid.u32  }
0x5: {  	s15 =	simm.s32 $0x7000;
	s16 =	simm.s32 $0x1;
	s7 =	smul.u32 $0x14000, s0  }
0x6: {  	s17 =	simm.s32 $0x0;
	[smem:$0x7FF] =	sst s4;
	s8 =	smul.u32 $0x140000, s11  }
0x7: {  	s2 =	sshll.u32 s11, $0x4;
	s28 =	ssub.s32 $0x2, s11;
	s10 =	smul.u32 $0x50000, s0  }
0x8: {  	s31 =	sshll.u32 s0, $0x6;
	p0 =	sne.s32 s11, $0x0;
	s2 =	sor.u32 s0, s2  }
0x9: {  	s29 =	sshrl.u32 s28, $0x1;
	s6 =	smul.u32 $0x700, s2;
	s2 =	rddreg [dreg:$0x3]  }
0xa: {  	_ =	strace $0x8000004A;
	s26 =	sshrl.u32 s7, $0x3;
	s7 =	sadd.s32 s7, s8  }
0xb: {  	s13 =	ssub.s32 s28, s29;
	s30 =	sshrl.u32 s10, $0x2;
	s7 =	sshrl.u32 s7, $0x3  }
.Ltmp0:
0xc: {  	s14 =	sadd.s32 s30, s3;
	s10 =	smax.u32 s13, $0x1;
	(pc) =	sbr.rel .LBB2_1-.Ltmp0, $4  }
0xd: {  	s13 =	simm.s32 $0x3800;
	s9 =	sadd.s32 s6, s5;
	s6 =	sadd.s32 s26, s5  }
0xe: {  	s12 =	sadd.s32 s7, s5;
	s11 =	sshrl.u32 s14, $0x3;
	s14 =	simm.s32 $0x80  }
0xf: {  	s5 =	sadd.s32 $0x12000, s6;
	s6 =	sor.u32 $0x1C02, s31;
	s7 =	sadd.s32 $0x8A000, s9  }
0x10: {  	s8 =	sadd.s32 $0x4000, s9;
	s9 =	sadd.s32 $0x98000, s12;
	s12 =	simm.s32 $0x2  }
.LBB2_7:
0x11: {  	s18 =	sshra.s32 s18, $0x2;
	[sflag:s12] =	ssyncadd.s32 $0xFFFFC000  }
0x12: {  	[tilespmem:s15], [sflag:$0x1] =	stream.indirect.gather [hbm4b:s1+s14], $0x80, s18, s14, $0xb8;
	[tilespmem:$0x1F000] =	vst v63  }
0x13: {  	_ =	swait.ge [sflag:s16], $0x4000  }
0x14: {  	[sflag:s16] =	ssyncset.done $0x0  }
0x15: {  	s18 =	sadd.s32 $0x3800, s18;
	[sflag:s16] =	ssyncadd.s32 $0xFFFFC000  }
0x16: {  	[spmem:s3] =	stream.indirect.scatter.add.f32 [tilespmem:s15], [sflag:$0x2], $0x80, s18, s14, $0xb8;
	[tilespmem:$0x1F000] =	vst v63  }
0x17: {  	_ =	swait.ge [sflag:s12], $0x4000  }
0x18: {  	[sflag:s12] =	ssyncset.done $0x0  }
0x19: {  	[sflag:s12] =	ssyncadd.s32 $0xFFFFC000  }
.LBB2_8:
0x1a: {  	s17 =	sadd.s32 $0x1, s17  }
0x1b: {  	p1 =	sne.s32 s17, s10  }
.Ltmp1:
0x1c: {  	[bflag:$0x0] =	sbarrier.arrive $0xFFFF;
	(pc) =	sbr.rel @!p1 .LBB2_9-.Ltmp1, $4  }
0x1d: {  	[hbm:s9], [sflag:s6] =	dma.local [spmem:s11], $0x2800  }
0x1e: {  	_ =	swait.ge [sflag:s12], $0x2800  }
0x1f: {  	[sflag:s12] =	ssyncset.done $0x0  }
0x20: {  	[sflag:s12] =	ssyncadd.s32 $0xFFFFD800  }
.LBB2_1:
0x21: {  	[spmem:s11], [sflag:s6] =	dma.local [hbm:s5], $0x2800  }
0x22: {  	_ =	swait.ge [sflag:s12], $0x2800  }
0x23: {  	[sflag:s12] =	ssyncset.done $0x0  }
0x24: {  	[sflag:s12] =	ssyncadd.s32 $0xFFFFD800  }
0x25: {  	[tilespmem:s4], [sflag:$0x2] =	stream.linear.gather [hbm4b:s7+s4], $0x3800, $0x38;
	[tilespmem:$0x1F000] =	vst v63  }
0x26: {  	_ =	swait.ge [sflag:s12], $0x3800  }
0x27: {  	[sflag:s12] =	ssyncset.done $0x0  }
0x28: {  	[sflag:s12] =	ssyncadd.s32 $0xFFFFC800  }
0x29: {  	[tilespmem:s13], [sflag:$0x2] =	stream.linear.gather [hbm4b:s8+s4], $0x3800, $0x38;
	[tilespmem:$0x1F000] =	vst v63  }
.Ltmp2:
0x2a: {  	_ =	swait.ge [sflag:s12], $0x3800;
	(pc) =	sbr.rel @p0 .LBB2_5-.Ltmp2, $4  }
0x2b: {  	[sflag:s12] =	ssyncset.done $0x0  }
0x2c: {  	[sflag:s12] =	ssyncadd.s32 $0xFFFFC800  }
0x2d: {  	[bflag:$0x0] =	sbarrier.arrive $0xFFFF  }
0x2e: {  	s18 =	simm.s32 $0x0  }
0x2f: {  	[tilespmem:s15], [sflag:$0x1] =	stream.indirect.gather [hbm4b:s1+s14], $0x80, s18, s14, $0xb8;
	[tilespmem:$0x1F000] =	vst v63  }
0x30: {  	_ =	swait.ge [sflag:s16], $0x4000  }
0x31: {  	[sflag:s16] =	ssyncset.done $0x0  }
0x32: {  	s31 =	simm.s32 $0x3800;
	[sflag:s16] =	ssyncadd.s32 $0xFFFFC000  }
0x33: {  	[spmem:s3] =	stream.indirect.scatter.add.f32 [tilespmem:s15], [sflag:$0x2], $0x80, s31, s14, $0xb8;
	[tilespmem:$0x1F000] =	vst v63  }
0x34: {  	_ =	swait.ge [sflag:s12], $0x4000  }
0x35: {  	s18 =	simm.s32 $0x200;
	s19 =	simm.s32 $0x400;
	[sflag:s12] =	ssyncset.done $0x0  }
.LBB2_3:
0x36: {  	s20 =	sshra.s32 s18, $0x2  }
0x37: {  	[sflag:s12] =	ssyncadd.s32 $0xFFFFC000;
	s18 =	smov.u32 s19;
	s21 =	sadd.s32 $0x200, s19  }
0x38: {  	[tilespmem:s15], [sflag:$0x1] =	stream.indirect.gather [hbm4b:s1+s14], $0x80, s20, s14, $0xb8;
	[tilespmem:$0x1F000] =	vst v63  }
0x39: {  	p1 =	seq.s32 s19, $0xDE00;
	_ =	swait.ge [sflag:s16], $0x4000  }
.Ltmp3:
0x3a: {  	[sflag:s16] =	ssyncset.done $0x0;
	(pc) =	sbr.rel @!p1 .LBB2_3-.Ltmp3, $4  }
0x3b: {  	s19 =	sadd.s32 $0x3800, s20;
	[sflag:s16] =	ssyncadd.s32 $0xFFFFC000  }
0x3c: {  	[spmem:s3] =	stream.indirect.scatter.add.f32 [tilespmem:s15], [sflag:$0x2], $0x80, s19, s14, $0xb8;
	[tilespmem:$0x1F000] =	vst v63  }
0x3d: {  	_ =	swait.ge [sflag:s12], $0x4000  }
0x3e: {  	s19 =	smov.u32 s21;
	[sflag:s12] =	ssyncset.done $0x0  }
0x3f: {  	s18 =	sshra.s32 s18, $0x2;
	[sflag:s12] =	ssyncadd.s32 $0xFFFFC000  }
0x40: {  	[tilespmem:s15], [sflag:$0x1] =	stream.indirect.gather [hbm4b:s1+s14], $0x80, s18, s14, $0xb8;
	[tilespmem:$0x1F000] =	vst v63  }
0x41: {  	_ =	swait.ge [sflag:s16], $0x4000  }
0x42: {  	[sflag:s16] =	ssyncset.done $0x0  }
.Ltmp4:
0x43: {  	s18 =	sadd.s32 $0x3800, s18;
	[sflag:s16] =	ssyncadd.s32 $0xFFFFC000;
	(pc) =	sbr.rel .LBB2_8-.Ltmp4, $4  }
0x44: {  	[spmem:s3] =	stream.indirect.scatter.add.f32 [tilespmem:s15], [sflag:$0x2], $0x80, s18, s14, $0xb8;
	[tilespmem:$0x1F000] =	vst v63  }
0x45: {  	_ =	swait.ge [sflag:s12], $0x4000  }
0x46: {  	[sflag:s12] =	ssyncset.done $0x0  }
0x47: {  	[sflag:s12] =	ssyncadd.s32 $0xFFFFC000  }
.LBB2_5:
0x48: {  	[tilespmem:s15], [sflag:$0x1] =	stream.indirect.gather [hbm4b:s1+s14], $0x80, s18, s14, $0xb8;
	[tilespmem:$0x1F000] =	vst v63  }
0x49: {  	_ =	swait.ge [sflag:s16], $0x4000  }
0x4a: {  	[sflag:s16] =	ssyncset.done $0x0  }
0x4b: {  	s31 =	simm.s32 $0x3800;
	[sflag:s16] =	ssyncadd.s32 $0xFFFFC000  }
0x4c: {  	[spmem:s3] =	stream.indirect.scatter.add.f32 [tilespmem:s15], [sflag:$0x2], $0x80, s31, s14, $0xb8;
	[tilespmem:$0x1F000] =	vst v63  }
0x4d: {  	_ =	swait.ge [sflag:s12], $0x4000  }
0x4e: {  	s18 =	simm.s32 $0x200;
	s19 =	simm.s32 $0x400;
	[sflag:s12] =	ssyncset.done $0x0  }
.LBB2_6:
0x4f: {  	s20 =	sshra.s32 s18, $0x2  }
0x50: {  	[sflag:s12] =	ssyncadd.s32 $0xFFFFC000;
	s18 =	smov.u32 s19;
	s21 =	sadd.s32 $0x200, s19  }
0x51: {  	[tilespmem:s15], [sflag:$0x1] =	stream.indirect.gather [hbm4b:s1+s14], $0x80, s20, s14, $0xb8;
	[tilespmem:$0x1F000] =	vst v63  }
0x52: {  	p1 =	sne.s32 s19, $0x5A00;
	_ =	swait.ge [sflag:s16], $0x4000  }
.Ltmp5:
0x53: {  	[sflag:s16] =	ssyncset.done $0x0;
	(pc) =	sbr.rel @p1 .LBB2_6-.Ltmp5, $4  }
0x54: {  	s19 =	sadd.s32 $0x3800, s20;
	[sflag:s16] =	ssyncadd.s32 $0xFFFFC000  }
0x55: {  	[spmem:s3] =	stream.indirect.scatter.add.f32 [tilespmem:s15], [sflag:$0x2], $0x80, s19, s14, $0xb8;
	[tilespmem:$0x1F000] =	vst v63  }
0x56: {  	_ =	swait.ge [sflag:s12], $0x4000  }
0x57: {  	s19 =	smov.u32 s21;
	[sflag:s12] =	ssyncset.done $0x0  }
.Ltmp6:
0x58: {  	_ = 	snop;
	(pc) =	sbr.rel .LBB2_7-.Ltmp6, $1  }
0x59: {  	_ =	sdelay $0x3  }
.LBB2_9:
0x5a: {  	_ =	sfence.sel $0x180000  }
0x5b: {  	[bflag:$0x0] =	sbarrier.arrive $0xFFFF  }
0x5c: {  	p0 =	sne.s32 s0, $0x0;
	_ =	strace $0x9000004A  }
0x5d: {  	s0 =	sadd.s32 @!p0 $0x100000, s2;
	[bflag:$0x2] =	sbarrier.arrive $0xFFFF  }
0x5e: {  	[sflag:s0] =	ssyncadd.tile.s32 @!p0 $0x1;
	_ =	shalt  }
.Lfunc_end2:
_tile_overlayer_lowered:
.L_overlay_start_2:
0x5f: {  	(tag) =	ssettag $0x2  }
0x60: {  	s0 =	rddreg [dreg:$0x0];
	s2 =	stileid.u32  }
0x61: {  	s1 =	rddreg [dreg:$0x1];
	p0 =	sne.s32 s2, $0x0  }
0x62: {  	s3 =	rddreg [dreg:$0x2];
	[bflag:$0x3] =	sbarrier.arrive $0xFFFF;
	s2 =	simm.s32 @!p0 $0x1C02  }
0x63: {  	[timem:s3], [sflag:s2] =	dma.local @!p0 [hbm:s0], s1  }
0x64: {  	s0 =	simm.s32 @!p0 $0x2  }
0x65: {  	_ =	swait.ge @!p0 [sflag:s0], s1  }
0x66: {  	s1 =	ssub.s32 @!p0 $0x0, s1;
	[sflag:s0] =	ssyncset.done @!p0 $0x0  }
0x67: {  	[sflag:s0] =	ssyncadd.s32 @!p0 s1  }
0x68: {  	[bflag:$0x3] =	sbarrier.arrive $0xFFFF  }
0x69: {  	_ =	shalt  }

// kernel: kernel.14.cloned.1.call-start
scs
__scs_entry_jumppad:
0x0: {  	(pc) =	sbr.rel $0x88, $3  }
0x1: {  	(tag) =	ssettag $0x0;
	lr =	simm.s32 $0x1  }
0x2: {  	[smem:$0x3F9B] =	sst lr;
	_ =	strace $0xD0000000  }
0x3: {  	_ = 	snop  }
0x4: {  	_ = 	snop  }
0x5: {  	_ = 	snop  }
0x6: {  	_ = 	snop  }
0x7: {  	_ = 	snop  }
__scs_overlays_trampoline_lowered:
0x8: {  	[smem:$0x3FAA] =	sst s0  }
0x9: {  	[smem:$0x3FAB] =	sst s1  }
0xa: {  	[smem:$0x3FAC] =	sst s2  }
0xb: {  	[smem:$0x3FAD] =	sst s3  }
0xc: {  	[smem:$0x3FAE] =	sst s4  }
0xd: {  	[smem:$0x3FAF] =	sst s5  }
0xe: {  	[smem:$0x3FB0] =	sst s6  }
0xf: {  	[smem:$0x3FB1] =	sst s7  }
0x10: {  	[smem:$0x3FB2] =	sst s8  }
0x11: {  	[smem:$0x3FB3] =	sst s9;
	s0 =	simm.s32 @!p0 $0x0  }
0x12: {  	s1 =	sld [smem:$0x3F99];
	s0 =	simm.s32 @p0 $0x1  }
0x13: {  	[smem:$0x3FB4] =	sst s0;
	s0 =	simm.s32 @!p1 $0x0  }
0x14: {  	s2 =	sld [smem:$0x3F98];
	s0 =	simm.s32 @p1 $0x1  }
0x15: {  	[smem:$0x3FB5] =	sst s0;
	s0 =	simm.s32 @!p2 $0x0  }
0x16: {  	s3 =	sld [smem:$0x3FDB];
	s0 =	simm.s32 @p2 $0x1  }
0x17: {  	s4 =	simm.s32 $0x1BF5;
	[smem:$0x3FB7] =	sst s0  }
0x18: {  	s0 =	sld [smem:$0x3F9A];
	_ =	swait.ge [sflag:s4], $0x0  }
0x19: {  	s7 =	sld [smem:$0x3F9B]  }
0x1a: {  	s8 =	sadd.s32 $0xFFFFE003, lr  }
0x1b: {  	s9 =	sadd.s32 $0xFFFFFEF7, lr;
	s5 =	simm.s32 $0xFFFFFFFF;
	p2 =	slt.u32 s8, $0xFFFFF086  }
0x1c: {  	p1 =	slt.u32 s9, $0xF7A;
	s5 =	simm.s32 @!p2 $0x0  }
0x1d: {  	s5 =	simm.s32 @p1 $0x1;
	p0 =	seq.s32 s7, s2  }
0x1e: {  	s7 =	smul.u32 @!p0 $0xF7A, s2;
	p2 =	seq.s32 @!p0 s5, $0x0  }
0x1f: {  	s9 =	smul.u32 $0xF7A, s1;
	s8 =	simm.s32 @!p0 $0x1BF5;
	p2 =	por !p2, p0  }
0x20: {  	[sflag:s8] =	ssyncset.s32 @!p0 $0xFFFFF086;
	s6 =	sadd.s32 @!p0 s3, s7;
	s7 =	simm.s32 @!p0 $0x108  }
0x21: {  	s3 =	sadd.s32 s3, s9;
	s6 =	sadd.s32 @!p0 $0x88, s6;
	s7 =	simm.s32 @p2 $0x1082  }
0x22: {  	[simem:s7], [sflag:s8] =	dma.local @!p0 [hbm:s6], $0xF7A  }
0x23: {  	s9 =	sor.u32 $0xD0000000, s2;
	s6 =	simm.s32 $0x108;
	_ =	swait.ge @!p0 [sflag:s8], $0x0  }
0x24: {  	s3 =	sadd.s32 $0x88, s3;
	s6 =	simm.s32 @!p1 $0x1082;
	[sflag:s4] =	ssyncset.s32 $0xFFFFF086  }
0x25: {  	[simem:s6], [sflag:s4] =	dma.local [hbm:s3], $0xF7A  }
0x26: {  	[smem:$0x3F9B] =	sst s1;
	(tag) =	ssettag s2;
	_ =	strace s9  }
0x27: {  	s1 =	sld [smem:$0x3FAB]  }
0x28: {  	s2 =	sld [smem:$0x3FAC]  }
0x29: {  	s4 =	sld [smem:$0x3FAE]  }
0x2a: {  	p0 =	seq.s32 s5, $0x0;
	s5 =	sld [smem:$0x3FAF]  }
0x2b: {  	s6 =	sld [smem:$0x3FB0]  }
0x2c: {  	s7 =	sld [smem:$0x3FB1]  }
0x2d: {  	s3 =	simm.s32 $0x108;
	s8 =	sld [smem:$0x3FB2]  }
0x2e: {  	s3 =	simm.s32 @!p0 $0x1082;
	s9 =	sld [smem:$0x3FB3]  }
0x2f: {  	lr =	sadd.s32 s0, s3;
	s0 =	sld [smem:$0x3FAA]  }
0x30: {  	s3 =	sld [smem:$0x3FAD]  }
0x31: {  	[smem:$0x3FB6] =	sst s10  }
0x32: {  	s10 =	sld [smem:$0x3FB4];
	_ =	sdelay $0x3  }
0x33: {  	p0 =	seq.s32 s10, $0x1;
	s10 =	sld [smem:$0x3FB6];
	_ =	sdelay $0x3  }
0x34: {  	[smem:$0x3FB6] =	sst s10  }
0x35: {  	s10 =	sld [smem:$0x3FB5];
	_ =	sdelay $0x3  }
0x36: {  	p1 =	seq.s32 s10, $0x1;
	s10 =	sld [smem:$0x3FB6];
	_ =	sdelay $0x3  }
0x37: {  	[smem:$0x3FB6] =	sst s10  }
0x38: {  	s10 =	sld [smem:$0x3FB7]  }
0x39: {  	_ = 	snop;
	(pc) =	sbr.ind lr, $3  }
0x3a: {  	_ = 	snop  }
0x3b: {  	_ = 	snop  }
0x3c: {  	p2 =	seq.s32 s10, $0x1;
	s10 =	sld [smem:$0x3FB6]  }
0x3d: {  	_ =	shalt  }
0x3e: {  	_ =	shalt  }
0x3f: {  	_ =	shalt  }
0x40: {  	_ =	shalt  }
0x41: {  	_ =	shalt  }
0x42: {  	_ =	shalt  }
0x43: {  	_ =	shalt  }
0x44: {  	_ =	shalt  }
0x45: {  	_ =	shalt  }
0x46: {  	_ =	shalt  }
0x47: {  	_ =	shalt  }
0x48: {  	_ =	shalt  }
0x49: {  	_ =	shalt  }
0x4a: {  	_ =	shalt  }
0x4b: {  	_ =	shalt  }
0x4c: {  	_ =	shalt  }
0x4d: {  	_ =	shalt  }
0x4e: {  	_ =	shalt  }
0x4f: {  	_ =	shalt  }
0x50: {  	_ =	shalt  }
0x51: {  	_ =	shalt  }
0x52: {  	_ =	shalt  }
0x53: {  	_ =	shalt  }
0x54: {  	_ =	shalt  }
0x55: {  	_ =	shalt  }
0x56: {  	_ =	shalt  }
0x57: {  	_ =	shalt  }
0x58: {  	_ =	shalt  }
0x59: {  	_ =	shalt  }
0x5a: {  	_ =	shalt  }
0x5b: {  	_ =	shalt  }
0x5c: {  	_ =	shalt  }
0x5d: {  	_ =	shalt  }
0x5e: {  	_ =	shalt  }
0x5f: {  	_ =	shalt  }
0x60: {  	_ =	shalt  }
0x61: {  	_ =	shalt  }
0x62: {  	_ =	shalt  }
0x63: {  	_ =	shalt  }
0x64: {  	_ =	shalt  }
0x65: {  	_ =	shalt  }
0x66: {  	_ =	shalt  }
0x67: {  	_ =	shalt  }
0x68: {  	_ =	shalt  }
0x69: {  	_ =	shalt  }
0x6a: {  	_ =	shalt  }
0x6b: {  	_ =	shalt  }
0x6c: {  	_ =	shalt  }
0x6d: {  	_ =	shalt  }
0x6e: {  	_ =	shalt  }
0x6f: {  	_ =	shalt  }
0x70: {  	_ =	shalt  }
0x71: {  	_ =	shalt  }
0x72: {  	_ =	shalt  }
0x73: {  	_ =	shalt  }
0x74: {  	_ =	shalt  }
0x75: {  	_ =	shalt  }
0x76: {  	_ =	shalt  }
0x77: {  	_ =	shalt  }
0x78: {  	_ =	shalt  }
0x79: {  	_ =	shalt  }
0x7a: {  	_ =	shalt  }
0x7b: {  	_ =	shalt  }
0x7c: {  	_ =	shalt  }
0x7d: {  	_ =	shalt  }
0x7e: {  	_ =	shalt  }
0x7f: {  	_ =	shalt  }
0x80: {  	_ =	shalt  }
0x81: {  	_ =	shalt  }
0x82: {  	_ =	shalt  }
0x83: {  	_ =	shalt  }
0x84: {  	_ =	shalt  }
0x85: {  	_ =	shalt  }
0x86: {  	_ =	shalt  }
0x87: {  	_ =	shalt  }
.Lfunc_end0:
.L_simem_size_0:
called_computation.2_lowered:
.L_overlay_start_0:
0x88: {  	s2 =	sld [smem:$0x3FD9]  }
0x89: {  	s3 =	sld [smem:$0x3FFE];
	_ =	sdelay $0x1  }
0x8a: {  	s1 =	srdreg.scid  }
0x8b: {  	s0 =	sand.u32 $0x1, s1  }
0x8c: {  	s14 =	sshll.u32 s0, $0xA;
	s2 =	sadd.s32 s3, s2  }
0x8d: {  	s2 =	sadd.s32 s2, s14  }
0x8e: {  	[smem:$0x3FC2] =	sst s2  }
0x8f: {  	_ = 	snop  }
0x90: {  	s2 =	sld [smem:$0x3FD0];
	_ =	sdelay $0x2  }
0x91: {  	s15 =	simm.s32 $0xA;
	s4 =	simm.s32 $0x10  }
0x92: {  	[smem:s4], [sflag:s15] =	dma.local [hbm:s2], $0x1  }
0x93: {  	_ =	swait.eq [sflag:s15], $0x1  }
0x94: {  	[sflag:s15] =	ssyncset.done $0x0  }
0x95: {  	[sflag:s15] =	ssyncadd.s32 $0xFFFFFFFF  }
0x96: {  	s16 =	sld [smem:$0x10];
	(tm) =	ssettm $0x1  }
0x97: {  	s17 =	sld [smem:$0x3FFB];
	_ =	sdelay $0x3  }
0x98: {  	_ =	strace s17  }
0x99: {  	s3 =	sld [smem:$0x3FFC];
	_ =	sdelay $0x3  }
0x9a: {  	_ =	strace s3  }
0x9b: {  	s3 =	sld [smem:$0x3FFD];
	_ =	sdelay $0x3  }
0x9c: {  	_ =	strace s3  }
0x9d: {  	_ =	strace $0x8FFFFFFF  }
0x9e: {  	s18 =	sld [smem:$0x3FDB];
	_ =	sdelay $0x1  }
0x9f: {  	s19 =	simm.s32 $_scs_section_size  }
0xa0: {  	s5 =	simm.s32 $_size__tile_overlayer_lowered;
	s6 =	simm.s32 $_tile_overlayer_lowered  }
0xa1: {  	s22 =	simm.s32 $0x1BFF;
	s21 =	sshll.u32 s6, $0x1;
	s3 =	sadd.s32 s19, s18  }
0xa2: {  	s7 =	simm.s32 $0x0;
	s20 =	sshll.u32 s5, $0x1;
	s5 =	sadd.s32 s21, s3  }
0xa3: {  	[timem:s7], [sflag:s22] =	dma.local [hbm:s5], s20  }
0xa4: {  	_ =	swait.ge [sflag:s22], s20  }
0xa5: {  	s4 =	ssub.s32 $0x0, s20;
	[sflag:s22] =	ssyncset.done $0x0  }
0xa6: {  	[sflag:s22] =	ssyncadd.s32 s4;
	_ =	sdelay $0x1  }
0xa7: {  	s23 =	simm.s32 $0x1B8B  }
0xa8: {  	_ =	swait.ge [sflag:s23], $0x1  }
0xa9: {  	[sflag:s23] =	ssyncset.done $0x0  }
0xaa: {  	s25 =	simm.s32 $0x1B8E;
	s24 =	sld [smem:$0x3FFE];
	[sflag:s23] =	ssyncadd.s32 $0xFFFFFFFF  }
0xab: {  	s26 =	simm.s32 $execute0_lowered;
	[smem:$0x3FD2] =	sst s25  }
0xac: {  	s5 =	sshll.u32 s26, $0x1;
	_ =	strace $0x8000004C;
	[dreg:$0x1] =	wrdreg $0xFFFFFFFF  }
0xad: {  	s28 =	simm.s32 $_size_execute0_lowered;
	s3 =	sadd.s32 s3, s5;
	[dreg:$0x0] =	wrdreg $0x0  }
0xae: {  	s5 =	sshll.u32 s28, $0x1;
	[dreg:$0x2] =	wrdreg s3  }
0xaf: {  	[dreg:$0x3] =	wrdreg s5  }
0xb0: {  	[dreg:$0x4] =	wrdreg $0xC0  }
0xb1: {  	_ =	task [dreg:s7], $0x5FFFF  }
0xb2: {  	[dreg:$0x1] =	wrdreg $0xFFFFFFFF  }
0xb3: {  	[dreg:$0x0] =	wrdreg $0x60  }
0xb4: {  	[dreg:$0x2] =	wrdreg s16  }
0xb5: {  	[dreg:$0x3] =	wrdreg s24  }
0xb6: {  	[dreg:$0x4] =	wrdreg $0xB0000  }
0xb7: {  	[dreg:$0x5] =	wrdreg $0x9  }
0xb8: {  	_ =	task.clear_ibuf [dreg:s7], $0x6FFFF;
	_ =	strace $0x9000004C  }
0xb9: {  	s29 =	simm.s32 $0x9;
	_ =	strace $0x8000004E  }
0xba: {  	_ =	swait.ge [sflag:s29], $0x1  }
0xbb: {  	[sflag:s29] =	ssyncadd.s32 $0xFFFFFFFF  }
0xbc: {  	_ =	strace $0x9000004E  }
0xbd: {  	_ =	sfence  }
0xbe: {  	s30 =	sld [smem:$0x0];
	_ =	sdelay $0x2  }
0xbf: {  	s31 =	sshll.u32 s1, $0xD;
	s1 =	sshrl.u32 s1, $0x2  }
0xc0: {  	s3 =	sand.u32 $0x4000, s31;
	s1 =	sadd.s32 s1, s30  }
0xc1: {  	s0 =	sor.u32 s3, s0;
	s1 =	sshll.u32 s1, $0x11  }
0xc2: {  	s0 =	sor.u32 s1, s0  }
0xc3: {  	s0 =	sadd.s32 $0x8F2B, s0  }
0xc4: {  	[sflag:s0] =	ssyncadd.remote.s32 $0x1  }
0xc5: {  	_ =	sfence.sel $0xFFFF  }
0xc6: {  	[dreg:$0x0] =	wrdreg $0xFFFFFFFF;
	(pc) =	sbr.abs _section_cstart, $3  }
0xc7: {  	[dreg:$0x1] =	wrdreg $0xFFFFFFFF  }
0xc8: {  	_ =	task.clear_ibuf [dreg:s7], $0x2FFFF;
	_ =	strace $0x9FFFFFFF  }
0xc9: {  	(tm) =	ssettm $0x7FFFFFFF  }
tec
execute0_lowered:
.L_overlay_start_1:
0x0: {  	(tag) =	ssettag $0x1  }
0x1: {  	s1 =	rddreg [dreg:$0x0]  }
0x2: {  	s5 =	rddreg [dreg:$0x1]  }
0x3: {  	s0 =	srdreg.scid;
	s3 =	rddreg [dreg:$0x2]  }
0x4: {  	s4 =	simm.s32 $0x0;
	s11 =	sand.u32 $0x1, s0;
	s0 =	stileid.u32  }
0x5: {  	s15 =	simm.s32 $0x7000;
	s16 =	simm.s32 $0x1;
	s7 =	smul.u32 $0x14000, s0  }
0x6: {  	s17 =	simm.s32 $0x0;
	[smem:$0x7FF] =	sst s4;
	s8 =	smul.u32 $0x140000, s11  }
0x7: {  	s2 =	sshll.u32 s11, $0x4;
	s28 =	ssub.s32 $0x2, s11;
	s10 =	smul.u32 $0x50000, s0  }
0x8: {  	s31 =	sshll.u32 s0, $0x6;
	p0 =	sne.s32 s11, $0x0;
	s2 =	sor.u32 s0, s2  }
0x9: {  	s29 =	sshrl.u32 s28, $0x1;
	s6 =	smul.u32 $0x700, s2;
	s2 =	rddreg [dreg:$0x3]  }
0xa: {  	_ =	strace $0x8000004D;
	s26 =	sshrl.u32 s7, $0x3;
	s7 =	sadd.s32 s7, s8  }
0xb: {  	s13 =	ssub.s32 s28, s29;
	s30 =	sshrl.u32 s10, $0x2;
	s7 =	sshrl.u32 s7, $0x3  }
.Ltmp0:
0xc: {  	s14 =	sadd.s32 s30, s3;
	s10 =	smax.u32 s13, $0x1;
	(pc) =	sbr.rel .LBB2_1-.Ltmp0, $4  }
0xd: {  	s13 =	simm.s32 $0x3800;
	s9 =	sadd.s32 s6, s5;
	s6 =	sadd.s32 s26, s5  }
0xe: {  	s12 =	sadd.s32 s7, s5;
	s11 =	sshrl.u32 s14, $0x3;
	s14 =	simm.s32 $0x80  }
0xf: {  	s5 =	sadd.s32 $0x12000, s6;
	s6 =	sor.u32 $0x1C02, s31;
	s7 =	sadd.s32 $0x8A000, s9  }
0x10: {  	s8 =	sadd.s32 $0x4000, s9;
	s9 =	sadd.s32 $0x98000, s12;
	s12 =	simm.s32 $0x2  }
.LBB2_7:
0x11: {  	s18 =	sshra.s32 s18, $0x2;
	[sflag:s12] =	ssyncadd.s32 $0xFFFFC000  }
0x12: {  	[tilespmem:s15], [sflag:$0x1] =	stream.indirect.gather [hbm4b:s1+s14], $0x80, s18, s14, $0xb8;
	[tilespmem:$0x1F000] =	vst v63  }
0x13: {  	_ =	swait.ge [sflag:s16], $0x4000  }
0x14: {  	[sflag:s16] =	ssyncset.done $0x0  }
0x15: {  	s18 =	sadd.s32 $0x3800, s18;
	[sflag:s16] =	ssyncadd.s32 $0xFFFFC000  }
0x16: {  	[spmem:s3] =	stream.indirect.scatter.add.f32 [tilespmem:s15], [sflag:$0x2], $0x80, s18, s14, $0xb8;
	[tilespmem:$0x1F000] =	vst v63  }
0x17: {  	_ =	swait.ge [sflag:s12], $0x4000  }
0x18: {  	[sflag:s12] =	ssyncset.done $0x0  }
0x19: {  	[sflag:s12] =	ssyncadd.s32 $0xFFFFC000  }
.LBB2_8:
0x1a: {  	s17 =	sadd.s32 $0x1, s17  }
0x1b: {  	p1 =	sne.s32 s17, s10  }
.Ltmp1:
0x1c: {  	[bflag:$0x0] =	sbarrier.arrive $0xFFFF;
	(pc) =	sbr.rel @!p1 .LBB2_9-.Ltmp1, $4  }
0x1d: {  	[hbm:s9], [sflag:s6] =	dma.local [spmem:s11], $0x2800  }
0x1e: {  	_ =	swait.ge [sflag:s12], $0x2800  }
0x1f: {  	[sflag:s12] =	ssyncset.done $0x0  }
0x20: {  	[sflag:s12] =	ssyncadd.s32 $0xFFFFD800  }
.LBB2_1:
0x21: {  	[spmem:s11], [sflag:s6] =	dma.local [hbm:s5], $0x2800  }
0x22: {  	_ =	swait.ge [sflag:s12], $0x2800  }
0x23: {  	[sflag:s12] =	ssyncset.done $0x0  }
0x24: {  	[sflag:s12] =	ssyncadd.s32 $0xFFFFD800  }
0x25: {  	[tilespmem:s4], [sflag:$0x2] =	stream.linear.gather [hbm4b:s7+s4], $0x3800, $0x38;
	[tilespmem:$0x1F000] =	vst v63  }
0x26: {  	_ =	swait.ge [sflag:s12], $0x3800  }
0x27: {  	[sflag:s12] =	ssyncset.done $0x0  }
0x28: {  	[sflag:s12] =	ssyncadd.s32 $0xFFFFC800  }
0x29: {  	[tilespmem:s13], [sflag:$0x2] =	stream.linear.gather [hbm4b:s8+s4], $0x3800, $0x38;
	[tilespmem:$0x1F000] =	vst v63  }
.Ltmp2:
0x2a: {  	_ =	swait.ge [sflag:s12], $0x3800;
	(pc) =	sbr.rel @p0 .LBB2_5-.Ltmp2, $4  }
0x2b: {  	[sflag:s12] =	ssyncset.done $0x0  }
0x2c: {  	[sflag:s12] =	ssyncadd.s32 $0xFFFFC800  }
0x2d: {  	[bflag:$0x0] =	sbarrier.arrive $0xFFFF  }
0x2e: {  	s18 =	simm.s32 $0x0  }
0x2f: {  	[tilespmem:s15], [sflag:$0x1] =	stream.indirect.gather [hbm4b:s1+s14], $0x80, s18, s14, $0xb8;
	[tilespmem:$0x1F000] =	vst v63  }
0x30: {  	_ =	swait.ge [sflag:s16], $0x4000  }
0x31: {  	[sflag:s16] =	ssyncset.done $0x0  }
0x32: {  	s31 =	simm.s32 $0x3800;
	[sflag:s16] =	ssyncadd.s32 $0xFFFFC000  }
0x33: {  	[spmem:s3] =	stream.indirect.scatter.add.f32 [tilespmem:s15], [sflag:$0x2], $0x80, s31, s14, $0xb8;
	[tilespmem:$0x1F000] =	vst v63  }
0x34: {  	_ =	swait.ge [sflag:s12], $0x4000  }
0x35: {  	s18 =	simm.s32 $0x200;
	s19 =	simm.s32 $0x400;
	[sflag:s12] =	ssyncset.done $0x0  }
.LBB2_3:
0x36: {  	s20 =	sshra.s32 s18, $0x2  }
0x37: {  	[sflag:s12] =	ssyncadd.s32 $0xFFFFC000;
	s18 =	smov.u32 s19;
	s21 =	sadd.s32 $0x200, s19  }
0x38: {  	[tilespmem:s15], [sflag:$0x1] =	stream.indirect.gather [hbm4b:s1+s14], $0x80, s20, s14, $0xb8;
	[tilespmem:$0x1F000] =	vst v63  }
0x39: {  	p1 =	seq.s32 s19, $0xDE00;
	_ =	swait.ge [sflag:s16], $0x4000  }
.Ltmp3:
0x3a: {  	[sflag:s16] =	ssyncset.done $0x0;
	(pc) =	sbr.rel @!p1 .LBB2_3-.Ltmp3, $4  }
0x3b: {  	s19 =	sadd.s32 $0x3800, s20;
	[sflag:s16] =	ssyncadd.s32 $0xFFFFC000  }
0x3c: {  	[spmem:s3] =	stream.indirect.scatter.add.f32 [tilespmem:s15], [sflag:$0x2], $0x80, s19, s14, $0xb8;
	[tilespmem:$0x1F000] =	vst v63  }
0x3d: {  	_ =	swait.ge [sflag:s12], $0x4000  }
0x3e: {  	s19 =	smov.u32 s21;
	[sflag:s12] =	ssyncset.done $0x0  }
0x3f: {  	s18 =	sshra.s32 s18, $0x2;
	[sflag:s12] =	ssyncadd.s32 $0xFFFFC000  }
0x40: {  	[tilespmem:s15], [sflag:$0x1] =	stream.indirect.gather [hbm4b:s1+s14], $0x80, s18, s14, $0xb8;
	[tilespmem:$0x1F000] =	vst v63  }
0x41: {  	_ =	swait.ge [sflag:s16], $0x4000  }
0x42: {  	[sflag:s16] =	ssyncset.done $0x0  }
.Ltmp4:
0x43: {  	s18 =	sadd.s32 $0x3800, s18;
	[sflag:s16] =	ssyncadd.s32 $0xFFFFC000;
	(pc) =	sbr.rel .LBB2_8-.Ltmp4, $4  }
0x44: {  	[spmem:s3] =	stream.indirect.scatter.add.f32 [tilespmem:s15], [sflag:$0x2], $0x80, s18, s14, $0xb8;
	[tilespmem:$0x1F000] =	vst v63  }
0x45: {  	_ =	swait.ge [sflag:s12], $0x4000  }
0x46: {  	[sflag:s12] =	ssyncset.done $0x0  }
0x47: {  	[sflag:s12] =	ssyncadd.s32 $0xFFFFC000  }
.LBB2_5:
0x48: {  	[tilespmem:s15], [sflag:$0x1] =	stream.indirect.gather [hbm4b:s1+s14], $0x80, s18, s14, $0xb8;
	[tilespmem:$0x1F000] =	vst v63  }
0x49: {  	_ =	swait.ge [sflag:s16], $0x4000  }
0x4a: {  	[sflag:s16] =	ssyncset.done $0x0  }
0x4b: {  	s31 =	simm.s32 $0x3800;
	[sflag:s16] =	ssyncadd.s32 $0xFFFFC000  }
0x4c: {  	[spmem:s3] =	stream.indirect.scatter.add.f32 [tilespmem:s15], [sflag:$0x2], $0x80, s31, s14, $0xb8;
	[tilespmem:$0x1F000] =	vst v63  }
0x4d: {  	_ =	swait.ge [sflag:s12], $0x4000  }
0x4e: {  	s18 =	simm.s32 $0x200;
	s19 =	simm.s32 $0x400;
	[sflag:s12] =	ssyncset.done $0x0  }
.LBB2_6:
0x4f: {  	s20 =	sshra.s32 s18, $0x2  }
0x50: {  	[sflag:s12] =	ssyncadd.s32 $0xFFFFC000;
	s18 =	smov.u32 s19;
	s21 =	sadd.s32 $0x200, s19  }
0x51: {  	[tilespmem:s15], [sflag:$0x1] =	stream.indirect.gather [hbm4b:s1+s14], $0x80, s20, s14, $0xb8;
	[tilespmem:$0x1F000] =	vst v63  }
0x52: {  	p1 =	sne.s32 s19, $0x5A00;
	_ =	swait.ge [sflag:s16], $0x4000  }
.Ltmp5:
0x53: {  	[sflag:s16] =	ssyncset.done $0x0;
	(pc) =	sbr.rel @p1 .LBB2_6-.Ltmp5, $4  }
0x54: {  	s19 =	sadd.s32 $0x3800, s20;
	[sflag:s16] =	ssyncadd.s32 $0xFFFFC000  }
0x55: {  	[spmem:s3] =	stream.indirect.scatter.add.f32 [tilespmem:s15], [sflag:$0x2], $0x80, s19, s14, $0xb8;
	[tilespmem:$0x1F000] =	vst v63  }
0x56: {  	_ =	swait.ge [sflag:s12], $0x4000  }
0x57: {  	s19 =	smov.u32 s21;
	[sflag:s12] =	ssyncset.done $0x0  }
.Ltmp6:
0x58: {  	_ = 	snop;
	(pc) =	sbr.rel .LBB2_7-.Ltmp6, $1  }
0x59: {  	_ =	sdelay $0x3  }
.LBB2_9:
0x5a: {  	_ =	sfence.sel $0x180000  }
0x5b: {  	[bflag:$0x0] =	sbarrier.arrive $0xFFFF  }
0x5c: {  	p0 =	sne.s32 s0, $0x0;
	_ =	strace $0x9000004D  }
0x5d: {  	s0 =	sadd.s32 @!p0 $0x100000, s2;
	[bflag:$0x2] =	sbarrier.arrive $0xFFFF  }
0x5e: {  	[sflag:s0] =	ssyncadd.tile.s32 @!p0 $0x1;
	_ =	shalt  }
.Lfunc_end2:
_tile_overlayer_lowered:
.L_overlay_start_2:
0x5f: {  	(tag) =	ssettag $0x2  }
0x60: {  	s0 =	rddreg [dreg:$0x0];
	s2 =	stileid.u32  }
0x61: {  	s1 =	rddreg [dreg:$0x1];
	p0 =	sne.s32 s2, $0x0  }
0x62: {  	s3 =	rddreg [dreg:$0x2];
	[bflag:$0x3] =	sbarrier.arrive $0xFFFF;
	s2 =	simm.s32 @!p0 $0x1C02  }
0x63: {  	[timem:s3], [sflag:s2] =	dma.local @!p0 [hbm:s0], s1  }
0x64: {  	s0 =	simm.s32 @!p0 $0x2  }
0x65: {  	_ =	swait.ge @!p0 [sflag:s0], s1  }
0x66: {  	s1 =	ssub.s32 @!p0 $0x0, s1;
	[sflag:s0] =	ssyncset.done @!p0 $0x0  }
0x67: {  	[sflag:s0] =	ssyncadd.s32 @!p0 s1  }
0x68: {  	[bflag:$0x3] =	sbarrier.arrive $0xFFFF  }
0x69: {  	_ =	shalt  }

// kernel: kernel.8.cloned.1.call-start
scs
__scs_entry_jumppad:
0x0: {  	(pc) =	sbr.rel $0x88, $3  }
0x1: {  	(tag) =	ssettag $0x0;
	lr =	simm.s32 $0x1  }
0x2: {  	[smem:$0x3F9B] =	sst lr;
	_ =	strace $0xD0000000  }
0x3: {  	_ = 	snop  }
0x4: {  	_ = 	snop  }
0x5: {  	_ = 	snop  }
0x6: {  	_ = 	snop  }
0x7: {  	_ = 	snop  }
__scs_overlays_trampoline_lowered:
0x8: {  	[smem:$0x3FAA] =	sst s0  }
0x9: {  	[smem:$0x3FAB] =	sst s1  }
0xa: {  	[smem:$0x3FAC] =	sst s2  }
0xb: {  	[smem:$0x3FAD] =	sst s3  }
0xc: {  	[smem:$0x3FAE] =	sst s4  }
0xd: {  	[smem:$0x3FAF] =	sst s5  }
0xe: {  	[smem:$0x3FB0] =	sst s6  }
0xf: {  	[smem:$0x3FB1] =	sst s7  }
0x10: {  	[smem:$0x3FB2] =	sst s8  }
0x11: {  	[smem:$0x3FB3] =	sst s9;
	s0 =	simm.s32 @!p0 $0x0  }
0x12: {  	s1 =	sld [smem:$0x3F99];
	s0 =	simm.s32 @p0 $0x1  }
0x13: {  	[smem:$0x3FB4] =	sst s0;
	s0 =	simm.s32 @!p1 $0x0  }
0x14: {  	s2 =	sld [smem:$0x3F98];
	s0 =	simm.s32 @p1 $0x1  }
0x15: {  	[smem:$0x3FB5] =	sst s0;
	s0 =	simm.s32 @!p2 $0x0  }
0x16: {  	s3 =	sld [smem:$0x3FDB];
	s0 =	simm.s32 @p2 $0x1  }
0x17: {  	s4 =	simm.s32 $0x1BF5;
	[smem:$0x3FB7] =	sst s0  }
0x18: {  	s0 =	sld [smem:$0x3F9A];
	_ =	swait.ge [sflag:s4], $0x0  }
0x19: {  	s7 =	sld [smem:$0x3F9B]  }
0x1a: {  	s8 =	sadd.s32 $0xFFFFE003, lr  }
0x1b: {  	s9 =	sadd.s32 $0xFFFFFEF7, lr;
	s5 =	simm.s32 $0xFFFFFFFF;
	p2 =	slt.u32 s8, $0xFFFFF086  }
0x1c: {  	p1 =	slt.u32 s9, $0xF7A;
	s5 =	simm.s32 @!p2 $0x0  }
0x1d: {  	s5 =	simm.s32 @p1 $0x1;
	p0 =	seq.s32 s7, s2  }
0x1e: {  	s7 =	smul.u32 @!p0 $0xF7A, s2;
	p2 =	seq.s32 @!p0 s5, $0x0  }
0x1f: {  	s9 =	smul.u32 $0xF7A, s1;
	s8 =	simm.s32 @!p0 $0x1BF5;
	p2 =	por !p2, p0  }
0x20: {  	[sflag:s8] =	ssyncset.s32 @!p0 $0xFFFFF086;
	s6 =	sadd.s32 @!p0 s3, s7;
	s7 =	simm.s32 @!p0 $0x108  }
0x21: {  	s3 =	sadd.s32 s3, s9;
	s6 =	sadd.s32 @!p0 $0x88, s6;
	s7 =	simm.s32 @p2 $0x1082  }
0x22: {  	[simem:s7], [sflag:s8] =	dma.local @!p0 [hbm:s6], $0xF7A  }
0x23: {  	s9 =	sor.u32 $0xD0000000, s2;
	s6 =	simm.s32 $0x108;
	_ =	swait.ge @!p0 [sflag:s8], $0x0  }
0x24: {  	s3 =	sadd.s32 $0x88, s3;
	s6 =	simm.s32 @!p1 $0x1082;
	[sflag:s4] =	ssyncset.s32 $0xFFFFF086  }
0x25: {  	[simem:s6], [sflag:s4] =	dma.local [hbm:s3], $0xF7A  }
0x26: {  	[smem:$0x3F9B] =	sst s1;
	(tag) =	ssettag s2;
	_ =	strace s9  }
0x27: {  	s1 =	sld [smem:$0x3FAB]  }
0x28: {  	s2 =	sld [smem:$0x3FAC]  }
0x29: {  	s4 =	sld [smem:$0x3FAE]  }
0x2a: {  	p0 =	seq.s32 s5, $0x0;
	s5 =	sld [smem:$0x3FAF]  }
0x2b: {  	s6 =	sld [smem:$0x3FB0]  }
0x2c: {  	s7 =	sld [smem:$0x3FB1]  }
0x2d: {  	s3 =	simm.s32 $0x108;
	s8 =	sld [smem:$0x3FB2]  }
0x2e: {  	s3 =	simm.s32 @!p0 $0x1082;
	s9 =	sld [smem:$0x3FB3]  }
0x2f: {  	lr =	sadd.s32 s0, s3;
	s0 =	sld [smem:$0x3FAA]  }
0x30: {  	s3 =	sld [smem:$0x3FAD]  }
0x31: {  	[smem:$0x3FB6] =	sst s10  }
0x32: {  	s10 =	sld [smem:$0x3FB4];
	_ =	sdelay $0x3  }
0x33: {  	p0 =	seq.s32 s10, $0x1;
	s10 =	sld [smem:$0x3FB6];
	_ =	sdelay $0x3  }
0x34: {  	[smem:$0x3FB6] =	sst s10  }
0x35: {  	s10 =	sld [smem:$0x3FB5];
	_ =	sdelay $0x3  }
0x36: {  	p1 =	seq.s32 s10, $0x1;
	s10 =	sld [smem:$0x3FB6];
	_ =	sdelay $0x3  }
0x37: {  	[smem:$0x3FB6] =	sst s10  }
0x38: {  	s10 =	sld [smem:$0x3FB7]  }
0x39: {  	_ = 	snop;
	(pc) =	sbr.ind lr, $3  }
0x3a: {  	_ = 	snop  }
0x3b: {  	_ = 	snop  }
0x3c: {  	p2 =	seq.s32 s10, $0x1;
	s10 =	sld [smem:$0x3FB6]  }
0x3d: {  	_ =	shalt  }
0x3e: {  	_ =	shalt  }
0x3f: {  	_ =	shalt  }
0x40: {  	_ =	shalt  }
0x41: {  	_ =	shalt  }
0x42: {  	_ =	shalt  }
0x43: {  	_ =	shalt  }
0x44: {  	_ =	shalt  }
0x45: {  	_ =	shalt  }
0x46: {  	_ =	shalt  }
0x47: {  	_ =	shalt  }
0x48: {  	_ =	shalt  }
0x49: {  	_ =	shalt  }
0x4a: {  	_ =	shalt  }
0x4b: {  	_ =	shalt  }
0x4c: {  	_ =	shalt  }
0x4d: {  	_ =	shalt  }
0x4e: {  	_ =	shalt  }
0x4f: {  	_ =	shalt  }
0x50: {  	_ =	shalt  }
0x51: {  	_ =	shalt  }
0x52: {  	_ =	shalt  }
0x53: {  	_ =	shalt  }
0x54: {  	_ =	shalt  }
0x55: {  	_ =	shalt  }
0x56: {  	_ =	shalt  }
0x57: {  	_ =	shalt  }
0x58: {  	_ =	shalt  }
0x59: {  	_ =	shalt  }
0x5a: {  	_ =	shalt  }
0x5b: {  	_ =	shalt  }
0x5c: {  	_ =	shalt  }
0x5d: {  	_ =	shalt  }
0x5e: {  	_ =	shalt  }
0x5f: {  	_ =	shalt  }
0x60: {  	_ =	shalt  }
0x61: {  	_ =	shalt  }
0x62: {  	_ =	shalt  }
0x63: {  	_ =	shalt  }
0x64: {  	_ =	shalt  }
0x65: {  	_ =	shalt  }
0x66: {  	_ =	shalt  }
0x67: {  	_ =	shalt  }
0x68: {  	_ =	shalt  }
0x69: {  	_ =	shalt  }
0x6a: {  	_ =	shalt  }
0x6b: {  	_ =	shalt  }
0x6c: {  	_ =	shalt  }
0x6d: {  	_ =	shalt  }
0x6e: {  	_ =	shalt  }
0x6f: {  	_ =	shalt  }
0x70: {  	_ =	shalt  }
0x71: {  	_ =	shalt  }
0x72: {  	_ =	shalt  }
0x73: {  	_ =	shalt  }
0x74: {  	_ =	shalt  }
0x75: {  	_ =	shalt  }
0x76: {  	_ =	shalt  }
0x77: {  	_ =	shalt  }
0x78: {  	_ =	shalt  }
0x79: {  	_ =	shalt  }
0x7a: {  	_ =	shalt  }
0x7b: {  	_ =	shalt  }
0x7c: {  	_ =	shalt  }
0x7d: {  	_ =	shalt  }
0x7e: {  	_ =	shalt  }
0x7f: {  	_ =	shalt  }
0x80: {  	_ =	shalt  }
0x81: {  	_ =	shalt  }
0x82: {  	_ =	shalt  }
0x83: {  	_ =	shalt  }
0x84: {  	_ =	shalt  }
0x85: {  	_ =	shalt  }
0x86: {  	_ =	shalt  }
0x87: {  	_ =	shalt  }
.Lfunc_end0:
.L_simem_size_0:
called_computation_lowered:
.L_overlay_start_0:
0x88: {  	s2 =	sld [smem:$0x3FD9]  }
0x89: {  	s3 =	sld [smem:$0x3FFE];
	_ =	sdelay $0x1  }
0x8a: {  	s1 =	srdreg.scid  }
0x8b: {  	s0 =	sand.u32 $0x1, s1  }
0x8c: {  	s14 =	sshll.u32 s0, $0xA;
	s2 =	sadd.s32 s3, s2  }
0x8d: {  	s2 =	sadd.s32 s2, s14  }
0x8e: {  	[smem:$0x3FC2] =	sst s2  }
0x8f: {  	_ = 	snop  }
0x90: {  	s2 =	sld [smem:$0x3FD0];
	_ =	sdelay $0x2  }
0x91: {  	s15 =	simm.s32 $0xA;
	s4 =	simm.s32 $0x10  }
0x92: {  	[smem:s4], [sflag:s15] =	dma.local [hbm:s2], $0x1  }
0x93: {  	_ =	swait.eq [sflag:s15], $0x1  }
0x94: {  	[sflag:s15] =	ssyncset.done $0x0  }
0x95: {  	[sflag:s15] =	ssyncadd.s32 $0xFFFFFFFF  }
0x96: {  	s16 =	sld [smem:$0x10];
	(tm) =	ssettm $0x1  }
0x97: {  	s17 =	sld [smem:$0x3FFB];
	_ =	sdelay $0x3  }
0x98: {  	_ =	strace s17  }
0x99: {  	s3 =	sld [smem:$0x3FFC];
	_ =	sdelay $0x3  }
0x9a: {  	_ =	strace s3  }
0x9b: {  	s3 =	sld [smem:$0x3FFD];
	_ =	sdelay $0x3  }
0x9c: {  	_ =	strace s3  }
0x9d: {  	_ =	strace $0x8FFFFFFF  }
0x9e: {  	s18 =	sld [smem:$0x3FDB];
	_ =	sdelay $0x1  }
0x9f: {  	s19 =	simm.s32 $_scs_section_size  }
0xa0: {  	s5 =	simm.s32 $_size__tile_overlayer_lowered;
	s6 =	simm.s32 $_tile_overlayer_lowered  }
0xa1: {  	s22 =	simm.s32 $0x1BFF;
	s21 =	sshll.u32 s6, $0x1;
	s3 =	sadd.s32 s19, s18  }
0xa2: {  	s7 =	simm.s32 $0x0;
	s20 =	sshll.u32 s5, $0x1;
	s5 =	sadd.s32 s21, s3  }
0xa3: {  	[timem:s7], [sflag:s22] =	dma.local [hbm:s5], s20  }
0xa4: {  	_ =	swait.ge [sflag:s22], s20  }
0xa5: {  	s4 =	ssub.s32 $0x0, s20;
	[sflag:s22] =	ssyncset.done $0x0  }
0xa6: {  	[sflag:s22] =	ssyncadd.s32 s4;
	_ =	sdelay $0x1  }
0xa7: {  	s23 =	simm.s32 $0x1B8B  }
0xa8: {  	_ =	swait.ge [sflag:s23], $0x1  }
0xa9: {  	[sflag:s23] =	ssyncset.done $0x0  }
0xaa: {  	s25 =	simm.s32 $0x1B8E;
	s24 =	sld [smem:$0x3FFE];
	[sflag:s23] =	ssyncadd.s32 $0xFFFFFFFF  }
0xab: {  	s26 =	simm.s32 $execute0_lowered;
	[smem:$0x3FD2] =	sst s25  }
0xac: {  	s5 =	sshll.u32 s26, $0x1;
	_ =	strace $0x80000046;
	[dreg:$0x1] =	wrdreg $0xFFFFFFFF  }
0xad: {  	s28 =	simm.s32 $_size_execute0_lowered;
	s3 =	sadd.s32 s3, s5;
	[dreg:$0x0] =	wrdreg $0x0  }
0xae: {  	s5 =	sshll.u32 s28, $0x1;
	[dreg:$0x2] =	wrdreg s3  }
0xaf: {  	[dreg:$0x3] =	wrdreg s5  }
0xb0: {  	[dreg:$0x4] =	wrdreg $0xC0  }
0xb1: {  	_ =	task [dreg:s7], $0x5FFFF  }
0xb2: {  	[dreg:$0x1] =	wrdreg $0xFFFFFFFF  }
0xb3: {  	[dreg:$0x0] =	wrdreg $0x60  }
0xb4: {  	[dreg:$0x2] =	wrdreg s24  }
0xb5: {  	[dreg:$0x3] =	wrdreg s16  }
0xb6: {  	[dreg:$0x4] =	wrdreg $0x78000  }
0xb7: {  	[dreg:$0x5] =	wrdreg $0x9  }
0xb8: {  	_ =	task.clear_ibuf [dreg:s7], $0x6FFFF;
	_ =	strace $0x90000046  }
0xb9: {  	s29 =	simm.s32 $0x9;
	_ =	strace $0x80000048  }
0xba: {  	_ =	swait.ge [sflag:s29], $0x1  }
0xbb: {  	[sflag:s29] =	ssyncadd.s32 $0xFFFFFFFF  }
0xbc: {  	_ =	strace $0x90000048  }
0xbd: {  	_ =	sfence  }
0xbe: {  	s30 =	sld [smem:$0x0];
	_ =	sdelay $0x2  }
0xbf: {  	s31 =	sshll.u32 s1, $0xD;
	s1 =	sshrl.u32 s1, $0x2  }
0xc0: {  	s3 =	sand.u32 $0x4000, s31;
	s1 =	sadd.s32 s1, s30  }
0xc1: {  	s0 =	sor.u32 s3, s0;
	s1 =	sshll.u32 s1, $0x11  }
0xc2: {  	s0 =	sor.u32 s1, s0  }
0xc3: {  	s0 =	sadd.s32 $0x8F2B, s0  }
0xc4: {  	[sflag:s0] =	ssyncadd.remote.s32 $0x1  }
0xc5: {  	_ =	sfence.sel $0xFFFF  }
0xc6: {  	[dreg:$0x0] =	wrdreg $0xFFFFFFFF;
	(pc) =	sbr.abs _section_cstart, $3  }
0xc7: {  	[dreg:$0x1] =	wrdreg $0xFFFFFFFF  }
0xc8: {  	_ =	task.clear_ibuf [dreg:s7], $0x2FFFF;
	_ =	strace $0x9FFFFFFF  }
0xc9: {  	(tm) =	ssettm $0x7FFFFFFF  }
tec
execute0_lowered:
.L_overlay_start_1:
0x0: {  	(tag) =	ssettag $0x1  }
0x1: {  	s5 =	rddreg [dreg:$0x0]  }
0x2: {  	s2 =	rddreg [dreg:$0x1]  }
0x3: {  	s0 =	srdreg.scid;
	s3 =	rddreg [dreg:$0x2]  }
0x4: {  	s4 =	simm.s32 $0x0;
	s10 =	sand.u32 $0x1, s0;
	s0 =	stileid.u32  }
0x5: {  	s14 =	simm.s32 $0x0;
	[smem:$0x7FF] =	sst s4;
	s7 =	smul.u32 $0x14000, s0  }
0x6: {  	s1 =	sshll.u32 s10, $0x4;
	s8 =	smul.u32 $0x140000, s10;
	s28 =	ssub.s32 $0x2, s10  }
0x7: {  	s11 =	smul.u32 $0x50000, s0;
	s31 =	sshll.u32 s0, $0x6;
	s1 =	sor.u32 s0, s1  }
0x8: {  	p0 =	sne.s32 s10, $0x0;
	s29 =	sshrl.u32 s28, $0x1;
	s6 =	smul.u32 $0x700, s1  }
0x9: {  	s1 =	rddreg [dreg:$0x3];
	_ =	strace $0x80000047;
	s26 =	sshrl.u32 s7, $0x3  }
0xa: {  	s7 =	sadd.s32 s7, s8;
	s13 =	ssub.s32 s28, s29;
	s30 =	sshrl.u32 s11, $0x2  }
.Ltmp0:
0xb: {  	s7 =	sshrl.u32 s7, $0x3;
	s11 =	sadd.s32 s30, s3;
	(pc) =	sbr.rel .LBB2_1-.Ltmp0, $4  }
0xc: {  	s9 =	sadd.s32 s6, s5;
	s6 =	sadd.s32 s26, s5;
	s12 =	sadd.s32 s7, s5  }
0xd: {  	s10 =	sshrl.u32 s11, $0x3;
	s11 =	simm.s32 $0x1;
	s5 =	sadd.s32 $0x12000, s6  }
0xe: {  	s6 =	sor.u32 $0x1C01, s31;
	s7 =	sadd.s32 $0x4000, s9;
	s8 =	sadd.s32 $0x3A000, s12  }
0xf: {  	s9 =	smax.u32 s13, $0x1;
	s12 =	simm.s32 $0x3800;
	s13 =	simm.s32 $0x80  }
.LBB2_7:
0x10: {  	[sflag:s11] =	ssyncadd.s32 $0xFFFFC000  }
.LBB2_8:
0x11: {  	s14 =	sadd.s32 $0x1, s14  }
0x12: {  	p1 =	sne.s32 s14, s9  }
.Ltmp1:
0x13: {  	[bflag:$0x0] =	sbarrier.arrive $0xFFFF;
	(pc) =	sbr.rel @!p1 .LBB2_9-.Ltmp1, $4  }
0x14: {  	[hbm:s8], [sflag:s6] =	dma.local [spmem:s10], $0x2800  }
0x15: {  	_ =	swait.ge [sflag:s11], $0x2800  }
0x16: {  	[sflag:s11] =	ssyncset.done $0x0  }
0x17: {  	[sflag:s11] =	ssyncadd.s32 $0xFFFFD800  }
.LBB2_1:
0x18: {  	[spmem:s10], [sflag:s6] =	dma.local [hbm:s5], $0x2800  }
0x19: {  	_ =	swait.ge [sflag:s11], $0x2800  }
0x1a: {  	[sflag:s11] =	ssyncset.done $0x0  }
0x1b: {  	[sflag:s11] =	ssyncadd.s32 $0xFFFFD800  }
0x1c: {  	[tilespmem:s4], [sflag:$0x1] =	stream.linear.gather [hbm4b:s7+s4], $0x3800, $0x38;
	[tilespmem:$0x1B800] =	vst v63  }
0x1d: {  	_ =	swait.ge [sflag:s11], $0x3800  }
0x1e: {  	[sflag:s11] =	ssyncset.done $0x0  }
0x1f: {  	[sflag:s11] =	ssyncadd.s32 $0xFFFFC800  }
0x20: {  	[tilespmem:s12], [sflag:$0x1] =	stream.linear.gather [hbm4b:s2+s4], $0x4000, $0x38;
	[tilespmem:$0x1B800] =	vst v63  }
.Ltmp2:
0x21: {  	_ =	swait.ge [sflag:s11], $0x4000;
	(pc) =	sbr.rel @p0 .LBB2_5-.Ltmp2, $4  }
0x22: {  	[sflag:s11] =	ssyncset.done $0x0  }
0x23: {  	[sflag:s11] =	ssyncadd.s32 $0xFFFFC000  }
0x24: {  	[bflag:$0x0] =	sbarrier.arrive $0xFFFF  }
0x25: {  	s15 =	sshra.s32 s4, $0x2  }
0x26: {  	[spmem:s3] =	stream.indirect.scatter.add.f32 [tilespmem:s12], [sflag:$0x1], $0x80, s15, s13, $0xb8;
	[tilespmem:$0x1B800] =	vst v63  }
0x27: {  	_ =	swait.ge [sflag:s11], $0x4000  }
0x28: {  	s15 =	sadd.s32 $0x200, s4;
	[sflag:s11] =	ssyncset.done $0x0  }
.LBB2_3:
0x29: {  	s16 =	sshra.s32 s15, $0x2;
	[sflag:s11] =	ssyncadd.s32 $0xFFFFC000;
	p1 =	seq.s32 s15, $0xDE00  }
0x2a: {  	[spmem:s3] =	stream.indirect.scatter.add.f32 [tilespmem:s12], [sflag:$0x1], $0x80, s16, s13, $0xb8;
	[tilespmem:$0x1B800] =	vst v63  }
.Ltmp3:
0x2b: {  	_ = 	snop;
	(pc) =	sbr.rel @!p1 .LBB2_3-.Ltmp3, $4  }
0x2c: {  	_ = 	snop  }
0x2d: {  	s15 =	sadd.s32 $0x200, s15  }
0x2e: {  	_ =	swait.ge [sflag:s11], $0x4000  }
0x2f: {  	[sflag:s11] =	ssyncset.done $0x0  }
.Ltmp4:
0x30: {  	(pc) =	sbr.rel .LBB2_8-.Ltmp4, $2  }
0x31: {  	_ =	sdelay $0x2  }
0x32: {  	[sflag:s11] =	ssyncadd.s32 $0xFFFFC000  }
.LBB2_5:
0x33: {  	[spmem:s3] =	stream.indirect.scatter.add.f32 [tilespmem:s12], [sflag:$0x1], $0x80, s15, s13, $0xb8;
	[tilespmem:$0x1B800] =	vst v63  }
0x34: {  	_ =	swait.ge [sflag:s11], $0x4000  }
0x35: {  	s15 =	sadd.s32 $0x200, s4;
	[sflag:s11] =	ssyncset.done $0x0  }
.LBB2_6:
0x36: {  	s16 =	sshra.s32 s15, $0x2;
	[sflag:s11] =	ssyncadd.s32 $0xFFFFC000;
	p1 =	sne.s32 s15, $0x5A00  }
0x37: {  	[spmem:s3] =	stream.indirect.scatter.add.f32 [tilespmem:s12], [sflag:$0x1], $0x80, s16, s13, $0xb8;
	[tilespmem:$0x1B800] =	vst v63  }
.Ltmp5:
0x38: {  	_ = 	snop;
	(pc) =	sbr.rel @p1 .LBB2_6-.Ltmp5, $4  }
0x39: {  	_ = 	snop  }
0x3a: {  	s15 =	sadd.s32 $0x200, s15  }
0x3b: {  	_ =	swait.ge [sflag:s11], $0x4000  }
0x3c: {  	[sflag:s11] =	ssyncset.done $0x0  }
.Ltmp6:
0x3d: {  	_ = 	snop;
	(pc) =	sbr.rel .LBB2_7-.Ltmp6, $1  }
0x3e: {  	_ =	sdelay $0x3  }
.LBB2_9:
0x3f: {  	_ =	sfence.sel $0x180000  }
0x40: {  	[bflag:$0x0] =	sbarrier.arrive $0xFFFF  }
0x41: {  	p0 =	sne.s32 s0, $0x0;
	_ =	strace $0x90000047  }
0x42: {  	s0 =	sadd.s32 @!p0 $0x100000, s1;
	[bflag:$0x2] =	sbarrier.arrive $0xFFFF  }
0x43: {  	[sflag:s0] =	ssyncadd.tile.s32 @!p0 $0x1;
	_ =	shalt  }
.Lfunc_end2:
_tile_overlayer_lowered:
.L_overlay_start_2:
0x44: {  	(tag) =	ssettag $0x2  }
0x45: {  	s0 =	rddreg [dreg:$0x0];
	s2 =	stileid.u32  }
0x46: {  	s1 =	rddreg [dreg:$0x1];
	p0 =	sne.s32 s2, $0x0  }
0x47: {  	s3 =	rddreg [dreg:$0x2];
	[bflag:$0x3] =	sbarrier.arrive $0xFFFF;
	s2 =	simm.s32 @!p0 $0x1C01  }
0x48: {  	[timem:s3], [sflag:s2] =	dma.local @!p0 [hbm:s0], s1  }
0x49: {  	s0 =	simm.s32 @!p0 $0x1  }
0x4a: {  	_ =	swait.ge @!p0 [sflag:s0], s1  }
0x4b: {  	s1 =	ssub.s32 @!p0 $0x0, s1;
	[sflag:s0] =	ssyncset.done @!p0 $0x0  }
0x4c: {  	[sflag:s0] =	ssyncadd.s32 @!p0 s1  }
0x4d: {  	[bflag:$0x3] =	sbarrier.arrive $0xFFFF  }
0x4e: {  	_ =	shalt  }

</sc_bundles>
